<compile_context>
chip_gen: v7x
topology: tpu7x:2x2x1
jax: 0.10.2.dev20260603
libtpu: 0.0.44.dev20260713+nightly
codegen_flags: <defaults>
</compile_context>

<pallas_src>
import math

import jax
import jax.numpy as jnp
from jax import lax
from jax.experimental import pallas as pl
from jax.experimental.pallas import tpu as pltpu
from jax.experimental.pallas import tpu_sc as plsc

_SEQ, _BATCH, _EMB = 200, 1024, 128
_N = _SEQ * _BATCH
_NC, _NS, _L = 2, 16, 16
_NW = _NC * _NS
_PER_W = _N // _NW
_CHUNK = 128
_NCHUNK = _PER_W // _CHUNK
_NBUF = 5
_K = 3
_NSS = _NCHUNK // _NBUF
_SCALE = math.sqrt(_EMB)


def _body(tok_hbm, table_hbm, out_hbm, idx_v, *rest):
    bufs = rest[:_NBUF]
    gsems = rest[_NBUF:2 * _NBUF]
    ssems = rest[2 * _NBUF:3 * _NBUF]
    wid = lax.axis_index("s") * _NC + lax.axis_index("c")
    base = wid * _PER_W
    pltpu.sync_copy(tok_hbm.at[wid], idx_v)

    def start_gather(step, b):
        pltpu.async_copy(table_hbm.at[idx_v.at[step]], bufs[b], gsems[b])

    def scale(buf):
        def _mul_row(i, _):
            for k in range(_EMB // _L):
                sl = (i, pl.ds(k * _L, _L))
                buf[sl] = buf[sl] * _SCALE
            return 0

        lax.fori_loop(0, _CHUNK, _mul_row, 0)

    def chunk(j, u, wait_wb, prefetch):
        b = u % _NBUF
        nb = (u + _K) % _NBUF
        if prefetch:
            start_gather(j + _K, nb)
        pltpu.make_async_copy(
            table_hbm.at[pl.ds(0, _CHUNK)], bufs[b], gsems[b]
        ).wait()
        bufs[b][0, pl.ds(0, _L)] = bufs[b][0, pl.ds(0, _L)] + 1.0

    for j in range(_K):
        start_gather(j, j)
    for u in range(_NBUF):
        chunk(u, u, wait_wb=(u >= _NBUF - _K), prefetch=True)

    def super_step(g, _):
        for u in range(_NBUF):
            chunk(g * _NBUF + u, u, wait_wb=True, prefetch=True)
        return 0

    lax.fori_loop(1, _NSS - 1, super_step, 0)
    for u in range(_NBUF):
        j = (_NSS - 1) * _NBUF + u
        chunk(j, u, wait_wb=True, prefetch=(j + _K < _NCHUNK))
    pltpu.sync_copy(bufs[0], out_hbm.at[pl.ds(base, _CHUNK)])


@jax.jit
def kernel(tokens, table):
    tok = tokens.astype(jnp.int32).reshape(_NW, _NCHUNK, _CHUNK)
    mesh = plsc.VectorSubcoreMesh(core_axis_name="c", subcore_axis_name="s")
    out = pl.kernel(
        _body,
        out_type=jax.ShapeDtypeStruct((_N, _EMB), jnp.float32),
        mesh=mesh,
        scratch_types=(
            [pltpu.VMEM((_NCHUNK, _CHUNK), jnp.int32)]
            + [pltpu.VMEM((_CHUNK, _EMB), jnp.float32) for _ in range(_NBUF)]
            + [pltpu.SemaphoreType.DMA for _ in range(2 * _NBUF)]
        ),
    )(tok, table)
    return out.reshape(_SEQ, _BATCH, _EMB)

# --- scband reference (transcript-rebuilt; emitter-appended) ---
"""Pipeline reference for scband-token-embedding-15668040696034 (READ-ONLY COPY).

The authoritative reference and input builder live on the scoring server;
editing this copy changes nothing except your own understanding.
"""

import jax, jax.numpy as jnp
import numpy as np
import math

VOCAB = 100000
EMB = 128
SEQ = 200
BATCH = 1024

def setup_inputs(seed: int = 0) -> dict:
    key = jax.random.key(seed)
    k_tok, k_tab = jax.random.split(key)
    tokens = jax.random.randint(k_tok, (SEQ, BATCH), 0, VOCAB, dtype=jnp.int64 if jax.config.jax_enable_x64 else jnp.int32)
    table = jax.random.normal(k_tab, (VOCAB, EMB), dtype=jnp.float32)
    return {"tokens": tokens, "table": table}

def reference(tokens, table):
    # TokenEmbedding.forward: embedding(tokens) * sqrt(emb_size)
    emb = jnp.take(table, tokens, axis=0)  # [SEQ, BATCH, EMB]
    return emb * jnp.float32(math.sqrt(EMB))

if __name__ == "__main__":
    import jax
    _d = setup_inputs()
    print(jax.jit(kernel)(*tuple(_d.values())))

</pallas_src>

<mosaic_0001>
#map = affine_map<(d0, d1) -> (0, 0, 0)>
#map1 = affine_map<(d0, d1) -> (0, 0)>
module attributes {stable_mosaic.version = 14 : i64} {
  func.func @_body(%arg0: i32, %arg1: i32, %arg2: memref<32x50x128xi32, #tpu.memory_space<hbm>>, %arg3: memref<100000x128xf32, #tpu.memory_space<hbm>>, %arg4: memref<204800x128xf32, #tpu.memory_space<hbm>>, %arg5: memref<50x128xi32, #tpu.memory_space<vmem>>, %arg6: memref<128x128xf32, #tpu.memory_space<vmem>>, %arg7: memref<128x128xf32, #tpu.memory_space<vmem>>, %arg8: memref<128x128xf32, #tpu.memory_space<vmem>>, %arg9: memref<128x128xf32, #tpu.memory_space<vmem>>, %arg10: memref<128x128xf32, #tpu.memory_space<vmem>>, %arg11: memref<!tpu.dma_semaphore, #tpu.memory_space<semaphore_mem>>, %arg12: memref<!tpu.dma_semaphore, #tpu.memory_space<semaphore_mem>>, %arg13: memref<!tpu.dma_semaphore, #tpu.memory_space<semaphore_mem>>, %arg14: memref<!tpu.dma_semaphore, #tpu.memory_space<semaphore_mem>>, %arg15: memref<!tpu.dma_semaphore, #tpu.memory_space<semaphore_mem>>, %arg16: memref<!tpu.dma_semaphore, #tpu.memory_space<semaphore_mem>>, %arg17: memref<!tpu.dma_semaphore, #tpu.memory_space<semaphore_mem>>, %arg18: memref<!tpu.dma_semaphore, #tpu.memory_space<semaphore_mem>>, %arg19: memref<!tpu.dma_semaphore, #tpu.memory_space<semaphore_mem>>, %arg20: memref<!tpu.dma_semaphore, #tpu.memory_space<semaphore_mem>>) attributes {dimension_semantics = [#tpu.dimension_semantics<core_parallel>, #tpu.dimension_semantics<subcore_parallel>], iteration_bounds = array<i64: 2, 16>, scalar_prefetch = 0 : i64, scratch_operands = 16 : i64, tpu.core_type = #tpu.core_type<sc_vector_subcore>, window_params = [{transform_indices = #map}, {transform_indices = #map1}, {transform_indices = #map1}]} {
    %mul3A = arith.constant 2 : i32
    %mul3A_0 = arith.muli %arg1, %mul3A : i32
    %add3A = arith.addi %mul3A_0, %arg0 : i32
    %mul3A_1 = arith.constant 6400 : i32
    %mul3A_2 = arith.muli %add3A, %mul3A_1 : i32
    "tpu.region"() ({
      %run_scoped3A = tpu.sem_alloc : memref<!tpu.dma_semaphore, #tpu.memory_space<semaphore_mem>>
      %dma_start3A_275 = arith.constant 0 : i32
      %dma_start3A_276 = arith.constant 0 : i32
      %dma_start3A_277 = tpu.memref_slice %arg2[%add3A, %dma_start3A_275, %dma_start3A_276] : memref<32x50x128xi32, #tpu.memory_space<hbm>> -> memref<1x50x128xi32, #tpu.memory_space<hbm>>
      %dma_start3A_278 = tpu.memref_squeeze %dma_start3A_277 : memref<1x50x128xi32, #tpu.memory_space<hbm>> -> memref<50x128xi32, #tpu.memory_space<hbm>>
      %dma_start3A_279 = arith.constant 0 : i32
      %dma_start3A_280 = arith.constant 0 : i32
      %dma_start3A_281 = tpu.memref_slice %arg2[%add3A, %dma_start3A_279, %dma_start3A_280] : memref<32x50x128xi32, #tpu.memory_space<hbm>> -> memref<1x50x128xi32, #tpu.memory_space<hbm>>
      %dma_start3A_282 = tpu.memref_squeeze %dma_start3A_281 : memref<1x50x128xi32, #tpu.memory_space<hbm>> -> memref<50x128xi32, #tpu.memory_space<hbm>>
      tpu.enqueue_dma source(%dma_start3A_282 : memref<50x128xi32, #tpu.memory_space<hbm>>) target(%arg5 : memref<50x128xi32, #tpu.memory_space<vmem>>) target_semaphore(%run_scoped3A : memref<!tpu.dma_semaphore, #tpu.memory_space<semaphore_mem>>)
      %dma_wait3A_283 = arith.constant 0 : i32
      %dma_wait3A_284 = arith.constant 0 : i32
      %dma_wait3A_285 = tpu.memref_slice %arg2[%add3A, %dma_wait3A_283, %dma_wait3A_284] : memref<32x50x128xi32, #tpu.memory_space<hbm>> -> memref<1x50x128xi32, #tpu.memory_space<hbm>>
      %dma_wait3A_286 = tpu.memref_squeeze %dma_wait3A_285 : memref<1x50x128xi32, #tpu.memory_space<hbm>> -> memref<50x128xi32, #tpu.memory_space<hbm>>
      %dma_wait3A_287 = arith.constant 0 : i32
      %dma_wait3A_288 = arith.constant 0 : i32
      %dma_wait3A_289 = tpu.memref_slice %arg2[%add3A, %dma_wait3A_287, %dma_wait3A_288] : memref<32x50x128xi32, #tpu.memory_space<hbm>> -> memref<1x50x128xi32, #tpu.memory_space<hbm>>
      %dma_wait3A_290 = tpu.memref_squeeze %dma_wait3A_289 : memref<1x50x128xi32, #tpu.memory_space<hbm>> -> memref<50x128xi32, #tpu.memory_space<hbm>>
      tpu.wait_dma2 semaphore(%run_scoped3A : memref<!tpu.dma_semaphore, #tpu.memory_space<semaphore_mem>>) src(%dma_wait3A_290 : memref<50x128xi32, #tpu.memory_space<hbm>>) dst(%arg5 : memref<50x128xi32, #tpu.memory_space<vmem>>)
      tpu.yield
    }) : () -> ()
    %dma_start3A = arith.constant 0 : i32
    %dma_start3A_3 = arith.constant 0 : i32
    %dma_start3A_4 = tpu.memref_slice %arg5[%dma_start3A, %dma_start3A_3] : memref<50x128xi32, #tpu.memory_space<vmem>> -> memref<1x128xi32, #tpu.memory_space<vmem>>
    %dma_start3A_5 = tpu.memref_squeeze %dma_start3A_4 : memref<1x128xi32, #tpu.memory_space<vmem>> -> memref<128xi32, #tpu.memory_space<vmem>>
    %dma_start3A_6 = arith.constant 0 : i32
    %dma_start3A_7 = arith.constant 0 : i32
    %dma_start3A_8 = tpu.memref_slice %arg3[%dma_start3A_6, %dma_start3A_7] : memref<100000x128xf32, #tpu.memory_space<hbm>> -> memref<100000x128xf32, #tpu.memory_space<hbm>>
    tpu.enqueue_indirect_dma source(%dma_start3A_8 : memref<100000x128xf32, #tpu.memory_space<hbm>>) target(%arg6 : memref<128x128xf32, #tpu.memory_space<vmem>>) offsets(%dma_start3A_5 : memref<128xi32, #tpu.memory_space<vmem>>) semaphore(%arg11 : memref<!tpu.dma_semaphore, #tpu.memory_space<semaphore_mem>>)
    %dma_start3A_9 = arith.constant 1 : i32
    %dma_start3A_10 = arith.constant 0 : i32
    %dma_start3A_11 = tpu.memref_slice %arg5[%dma_start3A_9, %dma_start3A_10] : memref<50x128xi32, #tpu.memory_space<vmem>> -> memref<1x128xi32, #tpu.memory_space<vmem>>
    %dma_start3A_12 = tpu.memref_squeeze %dma_start3A_11 : memref<1x128xi32, #tpu.memory_space<vmem>> -> memref<128xi32, #tpu.memory_space<vmem>>
    %dma_start3A_13 = arith.constant 0 : i32
    %dma_start3A_14 = arith.constant 0 : i32
    %dma_start3A_15 = tpu.memref_slice %arg3[%dma_start3A_13, %dma_start3A_14] : memref<100000x128xf32, #tpu.memory_space<hbm>> -> memref<100000x128xf32, #tpu.memory_space<hbm>>
    tpu.enqueue_indirect_dma source(%dma_start3A_15 : memref<100000x128xf32, #tpu.memory_space<hbm>>) target(%arg7 : memref<128x128xf32, #tpu.memory_space<vmem>>) offsets(%dma_start3A_12 : memref<128xi32, #tpu.memory_space<vmem>>) semaphore(%arg12 : memref<!tpu.dma_semaphore, #tpu.memory_space<semaphore_mem>>)
    %dma_start3A_16 = arith.constant 2 : i32
    %dma_start3A_17 = arith.constant 0 : i32
    %dma_start3A_18 = tpu.memref_slice %arg5[%dma_start3A_16, %dma_start3A_17] : memref<50x128xi32, #tpu.memory_space<vmem>> -> memref<1x128xi32, #tpu.memory_space<vmem>>
    %dma_start3A_19 = tpu.memref_squeeze %dma_start3A_18 : memref<1x128xi32, #tpu.memory_space<vmem>> -> memref<128xi32, #tpu.memory_space<vmem>>
    %dma_start3A_20 = arith.constant 0 : i32
    %dma_start3A_21 = arith.constant 0 : i32
    %dma_start3A_22 = tpu.memref_slice %arg3[%dma_start3A_20, %dma_start3A_21] : memref<100000x128xf32, #tpu.memory_space<hbm>> -> memref<100000x128xf32, #tpu.memory_space<hbm>>
    tpu.enqueue_indirect_dma source(%dma_start3A_22 : memref<100000x128xf32, #tpu.memory_space<hbm>>) target(%arg8 : memref<128x128xf32, #tpu.memory_space<vmem>>) offsets(%dma_start3A_19 : memref<128xi32, #tpu.memory_space<vmem>>) semaphore(%arg13 : memref<!tpu.dma_semaphore, #tpu.memory_space<semaphore_mem>>)
    %dma_start3A_23 = arith.constant 3 : i32
    %dma_start3A_24 = arith.constant 0 : i32
    %dma_start3A_25 = tpu.memref_slice %arg5[%dma_start3A_23, %dma_start3A_24] : memref<50x128xi32, #tpu.memory_space<vmem>> -> memref<1x128xi32, #tpu.memory_space<vmem>>
    %dma_start3A_26 = tpu.memref_squeeze %dma_start3A_25 : memref<1x128xi32, #tpu.memory_space<vmem>> -> memref<128xi32, #tpu.memory_space<vmem>>
    %dma_start3A_27 = arith.constant 0 : i32
    %dma_start3A_28 = arith.constant 0 : i32
    %dma_start3A_29 = tpu.memref_slice %arg3[%dma_start3A_27, %dma_start3A_28] : memref<100000x128xf32, #tpu.memory_space<hbm>> -> memref<100000x128xf32, #tpu.memory_space<hbm>>
    tpu.enqueue_indirect_dma source(%dma_start3A_29 : memref<100000x128xf32, #tpu.memory_space<hbm>>) target(%arg9 : memref<128x128xf32, #tpu.memory_space<vmem>>) offsets(%dma_start3A_26 : memref<128xi32, #tpu.memory_space<vmem>>) semaphore(%arg14 : memref<!tpu.dma_semaphore, #tpu.memory_space<semaphore_mem>>)
    %dma_wait3A = arith.constant 0 : i32
    %dma_wait3A_30 = arith.constant 0 : i32
    %dma_wait3A_31 = tpu.memref_slice %arg3[%dma_wait3A, %dma_wait3A_30] : memref<100000x128xf32, #tpu.memory_space<hbm>> -> memref<128x128xf32, #tpu.memory_space<hbm>>
    %dma_wait3A_32 = arith.constant 0 : i32
    %dma_wait3A_33 = arith.constant 0 : i32
    %dma_wait3A_34 = tpu.memref_slice %arg3[%dma_wait3A_32, %dma_wait3A_33] : memref<100000x128xf32, #tpu.memory_space<hbm>> -> memref<128x128xf32, #tpu.memory_space<hbm>>
    tpu.wait_dma2 semaphore(%arg11 : memref<!tpu.dma_semaphore, #tpu.memory_space<semaphore_mem>>) src(%dma_wait3A_34 : memref<128x128xf32, #tpu.memory_space<hbm>>) dst(%arg6 : memref<128x128xf32, #tpu.memory_space<vmem>>)
    %get3A = arith.constant 0 : i32
    %get3A_35 = arith.index_cast %get3A : i32 to index
    %get3A_36 = arith.constant 0 : index
    %get3A_37 = tpu.vector_load %arg6[%get3A_35, %get3A_36] {strides = array<i32>} : memref<128x128xf32, #tpu.memory_space<vmem>>, vector<1x16xf32>,
    %get3A_38 = vector.shape_cast %get3A_37 : vector<1x16xf32> to vector<16xf32>
    %add3A_39 = arith.constant 1.000000e+00 : f32
    %add3A_40 = vector.broadcast %add3A_39 : f32 to vector<16xf32>
    %add3A_41 = arith.addf %get3A_38, %add3A_40 : vector<16xf32>
    %swap3A = arith.constant 0 : i32
    %swap3A_42 = arith.index_cast %swap3A : i32 to index
    %swap3A_43 = arith.constant 0 : index
    %swap3A_44 = tpu.vector_load %arg6[%swap3A_42, %swap3A_43] {strides = array<i32>} : memref<128x128xf32, #tpu.memory_space<vmem>>, vector<1x16xf32>,
    %swap3A_45 = vector.shape_cast %swap3A_44 : vector<1x16xf32> to vector<16xf32>
    %swap3A_46 = vector.shape_cast %add3A_41 : vector<16xf32> to vector<1x16xf32>
    tpu.vector_store %arg6[%swap3A_42, %swap3A_43], %swap3A_46 {strides = array<i32>} : memref<128x128xf32, #tpu.memory_space<vmem>>, vector<1x16xf32>,
    %dma_start3A_47 = arith.constant 4 : i32
    %dma_start3A_48 = arith.constant 0 : i32
    %dma_start3A_49 = tpu.memref_slice %arg5[%dma_start3A_47, %dma_start3A_48] : memref<50x128xi32, #tpu.memory_space<vmem>> -> memref<1x128xi32, #tpu.memory_space<vmem>>
    %dma_start3A_50 = tpu.memref_squeeze %dma_start3A_49 : memref<1x128xi32, #tpu.memory_space<vmem>> -> memref<128xi32, #tpu.memory_space<vmem>>
    %dma_start3A_51 = arith.constant 0 : i32
    %dma_start3A_52 = arith.constant 0 : i32
    %dma_start3A_53 = tpu.memref_slice %arg3[%dma_start3A_51, %dma_start3A_52] : memref<100000x128xf32, #tpu.memory_space<hbm>> -> memref<100000x128xf32, #tpu.memory_space<hbm>>
    tpu.enqueue_indirect_dma source(%dma_start3A_53 : memref<100000x128xf32, #tpu.memory_space<hbm>>) target(%arg10 : memref<128x128xf32, #tpu.memory_space<vmem>>) offsets(%dma_start3A_50 : memref<128xi32, #tpu.memory_space<vmem>>) semaphore(%arg15 : memref<!tpu.dma_semaphore, #tpu.memory_space<semaphore_mem>>)
    %dma_wait3A_54 = arith.constant 0 : i32
    %dma_wait3A_55 = arith.constant 0 : i32
    %dma_wait3A_56 = tpu.memref_slice %arg3[%dma_wait3A_54, %dma_wait3A_55] : memref<100000x128xf32, #tpu.memory_space<hbm>> -> memref<128x128xf32, #tpu.memory_space<hbm>>
    %dma_wait3A_57 = arith.constant 0 : i32
    %dma_wait3A_58 = arith.constant 0 : i32
    %dma_wait3A_59 = tpu.memref_slice %arg3[%dma_wait3A_57, %dma_wait3A_58] : memref<100000x128xf32, #tpu.memory_space<hbm>> -> memref<128x128xf32, #tpu.memory_space<hbm>>
    tpu.wait_dma2 semaphore(%arg12 : memref<!tpu.dma_semaphore, #tpu.memory_space<semaphore_mem>>) src(%dma_wait3A_59 : memref<128x128xf32, #tpu.memory_space<hbm>>) dst(%arg7 : memref<128x128xf32, #tpu.memory_space<vmem>>)
    %get3A_60 = arith.constant 0 : i32
    %get3A_61 = arith.index_cast %get3A_60 : i32 to index
    %get3A_62 = arith.constant 0 : index
    %get3A_63 = tpu.vector_load %arg7[%get3A_61, %get3A_62] {strides = array<i32>} : memref<128x128xf32, #tpu.memory_space<vmem>>, vector<1x16xf32>,
    %get3A_64 = vector.shape_cast %get3A_63 : vector<1x16xf32> to vector<16xf32>
    %add3A_65 = arith.constant 1.000000e+00 : f32
    %add3A_66 = vector.broadcast %add3A_65 : f32 to vector<16xf32>
    %add3A_67 = arith.addf %get3A_64, %add3A_66 : vector<16xf32>
    %swap3A_68 = arith.constant 0 : i32
    %swap3A_69 = arith.index_cast %swap3A_68 : i32 to index
    %swap3A_70 = arith.constant 0 : index
    %swap3A_71 = tpu.vector_load %arg7[%swap3A_69, %swap3A_70] {strides = array<i32>} : memref<128x128xf32, #tpu.memory_space<vmem>>, vector<1x16xf32>,
    %swap3A_72 = vector.shape_cast %swap3A_71 : vector<1x16xf32> to vector<16xf32>
    %swap3A_73 = vector.shape_cast %add3A_67 : vector<16xf32> to vector<1x16xf32>
    tpu.vector_store %arg7[%swap3A_69, %swap3A_70], %swap3A_73 {strides = array<i32>} : memref<128x128xf32, #tpu.memory_space<vmem>>, vector<1x16xf32>,
    %dma_start3A_74 = arith.constant 5 : i32
    %dma_start3A_75 = arith.constant 0 : i32
    %dma_start3A_76 = tpu.memref_slice %arg5[%dma_start3A_74, %dma_start3A_75] : memref<50x128xi32, #tpu.memory_space<vmem>> -> memref<1x128xi32, #tpu.memory_space<vmem>>
    %dma_start3A_77 = tpu.memref_squeeze %dma_start3A_76 : memref<1x128xi32, #tpu.memory_space<vmem>> -> memref<128xi32, #tpu.memory_space<vmem>>
    %dma_start3A_78 = arith.constant 0 : i32
    %dma_start3A_79 = arith.constant 0 : i32
    %dma_start3A_80 = tpu.memref_slice %arg3[%dma_start3A_78, %dma_start3A_79] : memref<100000x128xf32, #tpu.memory_space<hbm>> -> memref<100000x128xf32, #tpu.memory_space<hbm>>
    tpu.enqueue_indirect_dma source(%dma_start3A_80 : memref<100000x128xf32, #tpu.memory_space<hbm>>) target(%arg6 : memref<128x128xf32, #tpu.memory_space<vmem>>) offsets(%dma_start3A_77 : memref<128xi32, #tpu.memory_space<vmem>>) semaphore(%arg11 : memref<!tpu.dma_semaphore, #tpu.memory_space<semaphore_mem>>)
    %dma_wait3A_81 = arith.constant 0 : i32
    %dma_wait3A_82 = arith.constant 0 : i32
    %dma_wait3A_83 = tpu.memref_slice %arg3[%dma_wait3A_81, %dma_wait3A_82] : memref<100000x128xf32, #tpu.memory_space<hbm>> -> memref<128x128xf32, #tpu.memory_space<hbm>>
    %dma_wait3A_84 = arith.constant 0 : i32
    %dma_wait3A_85 = arith.constant 0 : i32
    %dma_wait3A_86 = tpu.memref_slice %arg3[%dma_wait3A_84, %dma_wait3A_85] : memref<100000x128xf32, #tpu.memory_space<hbm>> -> memref<128x128xf32, #tpu.memory_space<hbm>>
    tpu.wait_dma2 semaphore(%arg13 : memref<!tpu.dma_semaphore, #tpu.memory_space<semaphore_mem>>) src(%dma_wait3A_86 : memref<128x128xf32, #tpu.memory_space<hbm>>) dst(%arg8 : memref<128x128xf32, #tpu.memory_space<vmem>>)
    %get3A_87 = arith.constant 0 : i32
    %get3A_88 = arith.index_cast %get3A_87 : i32 to index
    %get3A_89 = arith.constant 0 : index
    %get3A_90 = tpu.vector_load %arg8[%get3A_88, %get3A_89] {strides = array<i32>} : memref<128x128xf32, #tpu.memory_space<vmem>>, vector<1x16xf32>,
    %get3A_91 = vector.shape_cast %get3A_90 : vector<1x16xf32> to vector<16xf32>
    %add3A_92 = arith.constant 1.000000e+00 : f32
    %add3A_93 = vector.broadcast %add3A_92 : f32 to vector<16xf32>
    %add3A_94 = arith.addf %get3A_91, %add3A_93 : vector<16xf32>
    %swap3A_95 = arith.constant 0 : i32
    %swap3A_96 = arith.index_cast %swap3A_95 : i32 to index
    %swap3A_97 = arith.constant 0 : index
    %swap3A_98 = tpu.vector_load %arg8[%swap3A_96, %swap3A_97] {strides = array<i32>} : memref<128x128xf32, #tpu.memory_space<vmem>>, vector<1x16xf32>,
    %swap3A_99 = vector.shape_cast %swap3A_98 : vector<1x16xf32> to vector<16xf32>
    %swap3A_100 = vector.shape_cast %add3A_94 : vector<16xf32> to vector<1x16xf32>
    tpu.vector_store %arg8[%swap3A_96, %swap3A_97], %swap3A_100 {strides = array<i32>} : memref<128x128xf32, #tpu.memory_space<vmem>>, vector<1x16xf32>,
    %dma_start3A_101 = arith.constant 6 : i32
    %dma_start3A_102 = arith.constant 0 : i32
    %dma_start3A_103 = tpu.memref_slice %arg5[%dma_start3A_101, %dma_start3A_102] : memref<50x128xi32, #tpu.memory_space<vmem>> -> memref<1x128xi32, #tpu.memory_space<vmem>>
    %dma_start3A_104 = tpu.memref_squeeze %dma_start3A_103 : memref<1x128xi32, #tpu.memory_space<vmem>> -> memref<128xi32, #tpu.memory_space<vmem>>
    %dma_start3A_105 = arith.constant 0 : i32
    %dma_start3A_106 = arith.constant 0 : i32
    %dma_start3A_107 = tpu.memref_slice %arg3[%dma_start3A_105, %dma_start3A_106] : memref<100000x128xf32, #tpu.memory_space<hbm>> -> memref<100000x128xf32, #tpu.memory_space<hbm>>
    tpu.enqueue_indirect_dma source(%dma_start3A_107 : memref<100000x128xf32, #tpu.memory_space<hbm>>) target(%arg7 : memref<128x128xf32, #tpu.memory_space<vmem>>) offsets(%dma_start3A_104 : memref<128xi32, #tpu.memory_space<vmem>>) semaphore(%arg12 : memref<!tpu.dma_semaphore, #tpu.memory_space<semaphore_mem>>)
    %dma_wait3A_108 = arith.constant 0 : i32
    %dma_wait3A_109 = arith.constant 0 : i32
    %dma_wait3A_110 = tpu.memref_slice %arg3[%dma_wait3A_108, %dma_wait3A_109] : memref<100000x128xf32, #tpu.memory_space<hbm>> -> memref<128x128xf32, #tpu.memory_space<hbm>>
    %dma_wait3A_111 = arith.constant 0 : i32
    %dma_wait3A_112 = arith.constant 0 : i32
    %dma_wait3A_113 = tpu.memref_slice %arg3[%dma_wait3A_111, %dma_wait3A_112] : memref<100000x128xf32, #tpu.memory_space<hbm>> -> memref<128x128xf32, #tpu.memory_space<hbm>>
    tpu.wait_dma2 semaphore(%arg14 : memref<!tpu.dma_semaphore, #tpu.memory_space<semaphore_mem>>) src(%dma_wait3A_113 : memref<128x128xf32, #tpu.memory_space<hbm>>) dst(%arg9 : memref<128x128xf32, #tpu.memory_space<vmem>>)
    %get3A_114 = arith.constant 0 : i32
    %get3A_115 = arith.index_cast %get3A_114 : i32 to index
    %get3A_116 = arith.constant 0 : index
    %get3A_117 = tpu.vector_load %arg9[%get3A_115, %get3A_116] {strides = array<i32>} : memref<128x128xf32, #tpu.memory_space<vmem>>, vector<1x16xf32>,
    %get3A_118 = vector.shape_cast %get3A_117 : vector<1x16xf32> to vector<16xf32>
    %add3A_119 = arith.constant 1.000000e+00 : f32
    %add3A_120 = vector.broadcast %add3A_119 : f32 to vector<16xf32>
    %add3A_121 = arith.addf %get3A_118, %add3A_120 : vector<16xf32>
    %swap3A_122 = arith.constant 0 : i32
    %swap3A_123 = arith.index_cast %swap3A_122 : i32 to index
    %swap3A_124 = arith.constant 0 : index
    %swap3A_125 = tpu.vector_load %arg9[%swap3A_123, %swap3A_124] {strides = array<i32>} : memref<128x128xf32, #tpu.memory_space<vmem>>, vector<1x16xf32>,
    %swap3A_126 = vector.shape_cast %swap3A_125 : vector<1x16xf32> to vector<16xf32>
    %swap3A_127 = vector.shape_cast %add3A_121 : vector<16xf32> to vector<1x16xf32>
    tpu.vector_store %arg9[%swap3A_123, %swap3A_124], %swap3A_127 {strides = array<i32>} : memref<128x128xf32, #tpu.memory_space<vmem>>, vector<1x16xf32>,
    %dma_start3A_128 = arith.constant 7 : i32
    %dma_start3A_129 = arith.constant 0 : i32
    %dma_start3A_130 = tpu.memref_slice %arg5[%dma_start3A_128, %dma_start3A_129] : memref<50x128xi32, #tpu.memory_space<vmem>> -> memref<1x128xi32, #tpu.memory_space<vmem>>
    %dma_start3A_131 = tpu.memref_squeeze %dma_start3A_130 : memref<1x128xi32, #tpu.memory_space<vmem>> -> memref<128xi32, #tpu.memory_space<vmem>>
    %dma_start3A_132 = arith.constant 0 : i32
    %dma_start3A_133 = arith.constant 0 : i32
    %dma_start3A_134 = tpu.memref_slice %arg3[%dma_start3A_132, %dma_start3A_133] : memref<100000x128xf32, #tpu.memory_space<hbm>> -> memref<100000x128xf32, #tpu.memory_space<hbm>>
    tpu.enqueue_indirect_dma source(%dma_start3A_134 : memref<100000x128xf32, #tpu.memory_space<hbm>>) target(%arg8 : memref<128x128xf32, #tpu.memory_space<vmem>>) offsets(%dma_start3A_131 : memref<128xi32, #tpu.memory_space<vmem>>) semaphore(%arg13 : memref<!tpu.dma_semaphore, #tpu.memory_space<semaphore_mem>>)
    %dma_wait3A_135 = arith.constant 0 : i32
    %dma_wait3A_136 = arith.constant 0 : i32
    %dma_wait3A_137 = tpu.memref_slice %arg3[%dma_wait3A_135, %dma_wait3A_136] : memref<100000x128xf32, #tpu.memory_space<hbm>> -> memref<128x128xf32, #tpu.memory_space<hbm>>
    %dma_wait3A_138 = arith.constant 0 : i32
    %dma_wait3A_139 = arith.constant 0 : i32
    %dma_wait3A_140 = tpu.memref_slice %arg3[%dma_wait3A_138, %dma_wait3A_139] : memref<100000x128xf32, #tpu.memory_space<hbm>> -> memref<128x128xf32, #tpu.memory_space<hbm>>
    tpu.wait_dma2 semaphore(%arg15 : memref<!tpu.dma_semaphore, #tpu.memory_space<semaphore_mem>>) src(%dma_wait3A_140 : memref<128x128xf32, #tpu.memory_space<hbm>>) dst(%arg10 : memref<128x128xf32, #tpu.memory_space<vmem>>)
    %get3A_141 = arith.constant 0 : i32
    %get3A_142 = arith.index_cast %get3A_141 : i32 to index
    %get3A_143 = arith.constant 0 : index
    %get3A_144 = tpu.vector_load %arg10[%get3A_142, %get3A_143] {strides = array<i32>} : memref<128x128xf32, #tpu.memory_space<vmem>>, vector<1x16xf32>,
    %get3A_145 = vector.shape_cast %get3A_144 : vector<1x16xf32> to vector<16xf32>
    %add3A_146 = arith.constant 1.000000e+00 : f32
    %add3A_147 = vector.broadcast %add3A_146 : f32 to vector<16xf32>
    %add3A_148 = arith.addf %get3A_145, %add3A_147 : vector<16xf32>
    %swap3A_149 = arith.constant 0 : i32
    %swap3A_150 = arith.index_cast %swap3A_149 : i32 to index
    %swap3A_151 = arith.constant 0 : index
    %swap3A_152 = tpu.vector_load %arg10[%swap3A_150, %swap3A_151] {strides = array<i32>} : memref<128x128xf32, #tpu.memory_space<vmem>>, vector<1x16xf32>,
    %swap3A_153 = vector.shape_cast %swap3A_152 : vector<1x16xf32> to vector<16xf32>
    %swap3A_154 = vector.shape_cast %add3A_148 : vector<16xf32> to vector<1x16xf32>
    tpu.vector_store %arg10[%swap3A_150, %swap3A_151], %swap3A_154 {strides = array<i32>} : memref<128x128xf32, #tpu.memory_space<vmem>>, vector<1x16xf32>,
    %scan3A = arith.constant 0 : i32
    %scan3A_155 = arith.constant 1 : i32
    %scan3A_156 = arith.constant 8 : i32
    %scan3A_157 = arith.addi %scan3A_155, %scan3A_156 : i32
    %scan3A_158 = arith.constant 1 : i32
    %scan3A_159 = scf.for %scan3A_275 = %scan3A_155 to %scan3A_157 step %scan3A_158 iter_args(%scan3A_276 = %scan3A) -> (i32)  : i32 {
      %mul3A_277 = arith.constant 5 : i32
      %mul3A_278 = arith.muli %scan3A_275, %mul3A_277 : i32
      %add3A_279 = arith.constant 0 : i32
      %add3A_280 = arith.addi %mul3A_278, %add3A_279 : i32
      %add3A_281 = arith.constant 3 : i32
      %add3A_282 = arith.addi %add3A_280, %add3A_281 : i32
      %dma_start3A_283 = arith.constant 0 : i32
      %dma_start3A_284 = tpu.memref_slice %arg5[%add3A_282, %dma_start3A_283] : memref<50x128xi32, #tpu.memory_space<vmem>> -> memref<1x128xi32, #tpu.memory_space<vmem>>
      %dma_start3A_285 = tpu.memref_squeeze %dma_start3A_284 : memref<1x128xi32, #tpu.memory_space<vmem>> -> memref<128xi32, #tpu.memory_space<vmem>>
      %dma_start3A_286 = arith.constant 0 : i32
      %dma_start3A_287 = arith.constant 0 : i32
      %dma_start3A_288 = tpu.memref_slice %arg3[%dma_start3A_286, %dma_start3A_287] : memref<100000x128xf32, #tpu.memory_space<hbm>> -> memref<100000x128xf32, #tpu.memory_space<hbm>>
      tpu.enqueue_indirect_dma source(%dma_start3A_288 : memref<100000x128xf32, #tpu.memory_space<hbm>>) target(%arg9 : memref<128x128xf32, #tpu.memory_space<vmem>>) offsets(%dma_start3A_285 : memref<128xi32, #tpu.memory_space<vmem>>) semaphore(%arg14 : memref<!tpu.dma_semaphore, #tpu.memory_space<semaphore_mem>>)
      %dma_wait3A_289 = arith.constant 0 : i32
      %dma_wait3A_290 = arith.constant 0 : i32
      %dma_wait3A_291 = tpu.memref_slice %arg3[%dma_wait3A_289, %dma_wait3A_290] : memref<100000x128xf32, #tpu.memory_space<hbm>> -> memref<128x128xf32, #tpu.memory_space<hbm>>
      %dma_wait3A_292 = arith.constant 0 : i32
      %dma_wait3A_293 = arith.constant 0 : i32
      %dma_wait3A_294 = tpu.memref_slice %arg3[%dma_wait3A_292, %dma_wait3A_293] : memref<100000x128xf32, #tpu.memory_space<hbm>> -> memref<128x128xf32, #tpu.memory_space<hbm>>
      tpu.wait_dma2 semaphore(%arg11 : memref<!tpu.dma_semaphore, #tpu.memory_space<semaphore_mem>>) src(%dma_wait3A_294 : memref<128x128xf32, #tpu.memory_space<hbm>>) dst(%arg6 : memref<128x128xf32, #tpu.memory_space<vmem>>)
      %get3A_295 = arith.constant 0 : i32
      %get3A_296 = arith.index_cast %get3A_295 : i32 to index
      %get3A_297 = arith.constant 0 : index
      %get3A_298 = tpu.vector_load %arg6[%get3A_296, %get3A_297] {strides = array<i32>} : memref<128x128xf32, #tpu.memory_space<vmem>>, vector<1x16xf32>,
      %get3A_299 = vector.shape_cast %get3A_298 : vector<1x16xf32> to vector<16xf32>
      %add3A_300 = arith.constant 1.000000e+00 : f32
      %add3A_301 = vector.broadcast %add3A_300 : f32 to vector<16xf32>
      %add3A_302 = arith.addf %get3A_299, %add3A_301 : vector<16xf32>
      %swap3A_303 = arith.constant 0 : i32
      %swap3A_304 = arith.index_cast %swap3A_303 : i32 to index
      %swap3A_305 = arith.constant 0 : index
      %swap3A_306 = tpu.vector_load %arg6[%swap3A_304, %swap3A_305] {strides = array<i32>} : memref<128x128xf32, #tpu.memory_space<vmem>>, vector<1x16xf32>,
      %swap3A_307 = vector.shape_cast %swap3A_306 : vector<1x16xf32> to vector<16xf32>
      %swap3A_308 = vector.shape_cast %add3A_302 : vector<16xf32> to vector<1x16xf32>
      tpu.vector_store %arg6[%swap3A_304, %swap3A_305], %swap3A_308 {strides = array<i32>} : memref<128x128xf32, #tpu.memory_space<vmem>>, vector<1x16xf32>,
      %mul3A_309 = arith.constant 5 : i32
      %mul3A_310 = arith.muli %scan3A_275, %mul3A_309 : i32
      %add3A_311 = arith.constant 1 : i32
      %add3A_312 = arith.addi %mul3A_310, %add3A_311 : i32
      %add3A_313 = arith.constant 3 : i32
      %add3A_314 = arith.addi %add3A_312, %add3A_313 : i32
      %dma_start3A_315 = arith.constant 0 : i32
      %dma_start3A_316 = tpu.memref_slice %arg5[%add3A_314, %dma_start3A_315] : memref<50x128xi32, #tpu.memory_space<vmem>> -> memref<1x128xi32, #tpu.memory_space<vmem>>
      %dma_start3A_317 = tpu.memref_squeeze %dma_start3A_316 : memref<1x128xi32, #tpu.memory_space<vmem>> -> memref<128xi32, #tpu.memory_space<vmem>>
      %dma_start3A_318 = arith.constant 0 : i32
      %dma_start3A_319 = arith.constant 0 : i32
      %dma_start3A_320 = tpu.memref_slice %arg3[%dma_start3A_318, %dma_start3A_319] : memref<100000x128xf32, #tpu.memory_space<hbm>> -> memref<100000x128xf32, #tpu.memory_space<hbm>>
      tpu.enqueue_indirect_dma source(%dma_start3A_320 : memref<100000x128xf32, #tpu.memory_space<hbm>>) target(%arg10 : memref<128x128xf32, #tpu.memory_space<vmem>>) offsets(%dma_start3A_317 : memref<128xi32, #tpu.memory_space<vmem>>) semaphore(%arg15 : memref<!tpu.dma_semaphore, #tpu.memory_space<semaphore_mem>>)
      %dma_wait3A_321 = arith.constant 0 : i32
      %dma_wait3A_322 = arith.constant 0 : i32
      %dma_wait3A_323 = tpu.memref_slice %arg3[%dma_wait3A_321, %dma_wait3A_322] : memref<100000x128xf32, #tpu.memory_space<hbm>> -> memref<128x128xf32, #tpu.memory_space<hbm>>
      %dma_wait3A_324 = arith.constant 0 : i32
      %dma_wait3A_325 = arith.constant 0 : i32
      %dma_wait3A_326 = tpu.memref_slice %arg3[%dma_wait3A_324, %dma_wait3A_325] : memref<100000x128xf32, #tpu.memory_space<hbm>> -> memref<128x128xf32, #tpu.memory_space<hbm>>
      tpu.wait_dma2 semaphore(%arg12 : memref<!tpu.dma_semaphore, #tpu.memory_space<semaphore_mem>>) src(%dma_wait3A_326 : memref<128x128xf32, #tpu.memory_space<hbm>>) dst(%arg7 : memref<128x128xf32, #tpu.memory_space<vmem>>)
      %get3A_327 = arith.constant 0 : i32
      %get3A_328 = arith.index_cast %get3A_327 : i32 to index
      %get3A_329 = arith.constant 0 : index
      %get3A_330 = tpu.vector_load %arg7[%get3A_328, %get3A_329] {strides = array<i32>} : memref<128x128xf32, #tpu.memory_space<vmem>>, vector<1x16xf32>,
      %get3A_331 = vector.shape_cast %get3A_330 : vector<1x16xf32> to vector<16xf32>
      %add3A_332 = arith.constant 1.000000e+00 : f32
      %add3A_333 = vector.broadcast %add3A_332 : f32 to vector<16xf32>
      %add3A_334 = arith.addf %get3A_331, %add3A_333 : vector<16xf32>
      %swap3A_335 = arith.constant 0 : i32
      %swap3A_336 = arith.index_cast %swap3A_335 : i32 to index
      %swap3A_337 = arith.constant 0 : index
      %swap3A_338 = tpu.vector_load %arg7[%swap3A_336, %swap3A_337] {strides = array<i32>} : memref<128x128xf32, #tpu.memory_space<vmem>>, vector<1x16xf32>,
      %swap3A_339 = vector.shape_cast %swap3A_338 : vector<1x16xf32> to vector<16xf32>
      %swap3A_340 = vector.shape_cast %add3A_334 : vector<16xf32> to vector<1x16xf32>
      tpu.vector_store %arg7[%swap3A_336, %swap3A_337], %swap3A_340 {strides = array<i32>} : memref<128x128xf32, #tpu.memory_space<vmem>>, vector<1x16xf32>,
      %mul3A_341 = arith.constant 5 : i32
      %mul3A_342 = arith.muli %scan3A_275, %mul3A_341 : i32
      %add3A_343 = arith.constant 2 : i32
      %add3A_344 = arith.addi %mul3A_342, %add3A_343 : i32
      %add3A_345 = arith.constant 3 : i32
      %add3A_346 = arith.addi %add3A_344, %add3A_345 : i32
      %dma_start3A_347 = arith.constant 0 : i32
      %dma_start3A_348 = tpu.memref_slice %arg5[%add3A_346, %dma_start3A_347] : memref<50x128xi32, #tpu.memory_space<vmem>> -> memref<1x128xi32, #tpu.memory_space<vmem>>
      %dma_start3A_349 = tpu.memref_squeeze %dma_start3A_348 : memref<1x128xi32, #tpu.memory_space<vmem>> -> memref<128xi32, #tpu.memory_space<vmem>>
      %dma_start3A_350 = arith.constant 0 : i32
      %dma_start3A_351 = arith.constant 0 : i32
      %dma_start3A_352 = tpu.memref_slice %arg3[%dma_start3A_350, %dma_start3A_351] : memref<100000x128xf32, #tpu.memory_space<hbm>> -> memref<100000x128xf32, #tpu.memory_space<hbm>>
      tpu.enqueue_indirect_dma source(%dma_start3A_352 : memref<100000x128xf32, #tpu.memory_space<hbm>>) target(%arg6 : memref<128x128xf32, #tpu.memory_space<vmem>>) offsets(%dma_start3A_349 : memref<128xi32, #tpu.memory_space<vmem>>) semaphore(%arg11 : memref<!tpu.dma_semaphore, #tpu.memory_space<semaphore_mem>>)
      %dma_wait3A_353 = arith.constant 0 : i32
      %dma_wait3A_354 = arith.constant 0 : i32
      %dma_wait3A_355 = tpu.memref_slice %arg3[%dma_wait3A_353, %dma_wait3A_354] : memref<100000x128xf32, #tpu.memory_space<hbm>> -> memref<128x128xf32, #tpu.memory_space<hbm>>
      %dma_wait3A_356 = arith.constant 0 : i32
      %dma_wait3A_357 = arith.constant 0 : i32
      %dma_wait3A_358 = tpu.memref_slice %arg3[%dma_wait3A_356, %dma_wait3A_357] : memref<100000x128xf32, #tpu.memory_space<hbm>> -> memref<128x128xf32, #tpu.memory_space<hbm>>
      tpu.wait_dma2 semaphore(%arg13 : memref<!tpu.dma_semaphore, #tpu.memory_space<semaphore_mem>>) src(%dma_wait3A_358 : memref<128x128xf32, #tpu.memory_space<hbm>>) dst(%arg8 : memref<128x128xf32, #tpu.memory_space<vmem>>)
      %get3A_359 = arith.constant 0 : i32
      %get3A_360 = arith.index_cast %get3A_359 : i32 to index
      %get3A_361 = arith.constant 0 : index
      %get3A_362 = tpu.vector_load %arg8[%get3A_360, %get3A_361] {strides = array<i32>} : memref<128x128xf32, #tpu.memory_space<vmem>>, vector<1x16xf32>,
      %get3A_363 = vector.shape_cast %get3A_362 : vector<1x16xf32> to vector<16xf32>
      %add3A_364 = arith.constant 1.000000e+00 : f32
      %add3A_365 = vector.broadcast %add3A_364 : f32 to vector<16xf32>
      %add3A_366 = arith.addf %get3A_363, %add3A_365 : vector<16xf32>
      %swap3A_367 = arith.constant 0 : i32
      %swap3A_368 = arith.index_cast %swap3A_367 : i32 to index
      %swap3A_369 = arith.constant 0 : index
      %swap3A_370 = tpu.vector_load %arg8[%swap3A_368, %swap3A_369] {strides = array<i32>} : memref<128x128xf32, #tpu.memory_space<vmem>>, vector<1x16xf32>,
      %swap3A_371 = vector.shape_cast %swap3A_370 : vector<1x16xf32> to vector<16xf32>
      %swap3A_372 = vector.shape_cast %add3A_366 : vector<16xf32> to vector<1x16xf32>
      tpu.vector_store %arg8[%swap3A_368, %swap3A_369], %swap3A_372 {strides = array<i32>} : memref<128x128xf32, #tpu.memory_space<vmem>>, vector<1x16xf32>,
      %mul3A_373 = arith.constant 5 : i32
      %mul3A_374 = arith.muli %scan3A_275, %mul3A_373 : i32
      %add3A_375 = arith.constant 3 : i32
      %add3A_376 = arith.addi %mul3A_374, %add3A_375 : i32
      %add3A_377 = arith.constant 3 : i32
      %add3A_378 = arith.addi %add3A_376, %add3A_377 : i32
      %dma_start3A_379 = arith.constant 0 : i32
      %dma_start3A_380 = tpu.memref_slice %arg5[%add3A_378, %dma_start3A_379] : memref<50x128xi32, #tpu.memory_space<vmem>> -> memref<1x128xi32, #tpu.memory_space<vmem>>
      %dma_start3A_381 = tpu.memref_squeeze %dma_start3A_380 : memref<1x128xi32, #tpu.memory_space<vmem>> -> memref<128xi32, #tpu.memory_space<vmem>>
      %dma_start3A_382 = arith.constant 0 : i32
      %dma_start3A_383 = arith.constant 0 : i32
      %dma_start3A_384 = tpu.memref_slice %arg3[%dma_start3A_382, %dma_start3A_383] : memref<100000x128xf32, #tpu.memory_space<hbm>> -> memref<100000x128xf32, #tpu.memory_space<hbm>>
      tpu.enqueue_indirect_dma source(%dma_start3A_384 : memref<100000x128xf32, #tpu.memory_space<hbm>>) target(%arg7 : memref<128x128xf32, #tpu.memory_space<vmem>>) offsets(%dma_start3A_381 : memref<128xi32, #tpu.memory_space<vmem>>) semaphore(%arg12 : memref<!tpu.dma_semaphore, #tpu.memory_space<semaphore_mem>>)
      %dma_wait3A_385 = arith.constant 0 : i32
      %dma_wait3A_386 = arith.constant 0 : i32
      %dma_wait3A_387 = tpu.memref_slice %arg3[%dma_wait3A_385, %dma_wait3A_386] : memref<100000x128xf32, #tpu.memory_space<hbm>> -> memref<128x128xf32, #tpu.memory_space<hbm>>
      %dma_wait3A_388 = arith.constant 0 : i32
      %dma_wait3A_389 = arith.constant 0 : i32
      %dma_wait3A_390 = tpu.memref_slice %arg3[%dma_wait3A_388, %dma_wait3A_389] : memref<100000x128xf32, #tpu.memory_space<hbm>> -> memref<128x128xf32, #tpu.memory_space<hbm>>
      tpu.wait_dma2 semaphore(%arg14 : memref<!tpu.dma_semaphore, #tpu.memory_space<semaphore_mem>>) src(%dma_wait3A_390 : memref<128x128xf32, #tpu.memory_space<hbm>>) dst(%arg9 : memref<128x128xf32, #tpu.memory_space<vmem>>)
      %get3A_391 = arith.constant 0 : i32
      %get3A_392 = arith.index_cast %get3A_391 : i32 to index
      %get3A_393 = arith.constant 0 : index
      %get3A_394 = tpu.vector_load %arg9[%get3A_392, %get3A_393] {strides = array<i32>} : memref<128x128xf32, #tpu.memory_space<vmem>>, vector<1x16xf32>,
      %get3A_395 = vector.shape_cast %get3A_394 : vector<1x16xf32> to vector<16xf32>
      %add3A_396 = arith.constant 1.000000e+00 : f32
      %add3A_397 = vector.broadcast %add3A_396 : f32 to vector<16xf32>
      %add3A_398 = arith.addf %get3A_395, %add3A_397 : vector<16xf32>
      %swap3A_399 = arith.constant 0 : i32
      %swap3A_400 = arith.index_cast %swap3A_399 : i32 to index
      %swap3A_401 = arith.constant 0 : index
      %swap3A_402 = tpu.vector_load %arg9[%swap3A_400, %swap3A_401] {strides = array<i32>} : memref<128x128xf32, #tpu.memory_space<vmem>>, vector<1x16xf32>,
      %swap3A_403 = vector.shape_cast %swap3A_402 : vector<1x16xf32> to vector<16xf32>
      %swap3A_404 = vector.shape_cast %add3A_398 : vector<16xf32> to vector<1x16xf32>
      tpu.vector_store %arg9[%swap3A_400, %swap3A_401], %swap3A_404 {strides = array<i32>} : memref<128x128xf32, #tpu.memory_space<vmem>>, vector<1x16xf32>,
      %mul3A_405 = arith.constant 5 : i32
      %mul3A_406 = arith.muli %scan3A_275, %mul3A_405 : i32
      %add3A_407 = arith.constant 4 : i32
      %add3A_408 = arith.addi %mul3A_406, %add3A_407 : i32
      %add3A_409 = arith.constant 3 : i32
      %add3A_410 = arith.addi %add3A_408, %add3A_409 : i32
      %dma_start3A_411 = arith.constant 0 : i32
      %dma_start3A_412 = tpu.memref_slice %arg5[%add3A_410, %dma_start3A_411] : memref<50x128xi32, #tpu.memory_space<vmem>> -> memref<1x128xi32, #tpu.memory_space<vmem>>
      %dma_start3A_413 = tpu.memref_squeeze %dma_start3A_412 : memref<1x128xi32, #tpu.memory_space<vmem>> -> memref<128xi32, #tpu.memory_space<vmem>>
      %dma_start3A_414 = arith.constant 0 : i32
      %dma_start3A_415 = arith.constant 0 : i32
      %dma_start3A_416 = tpu.memref_slice %arg3[%dma_start3A_414, %dma_start3A_415] : memref<100000x128xf32, #tpu.memory_space<hbm>> -> memref<100000x128xf32, #tpu.memory_space<hbm>>
      tpu.enqueue_indirect_dma source(%dma_start3A_416 : memref<100000x128xf32, #tpu.memory_space<hbm>>) target(%arg8 : memref<128x128xf32, #tpu.memory_space<vmem>>) offsets(%dma_start3A_413 : memref<128xi32, #tpu.memory_space<vmem>>) semaphore(%arg13 : memref<!tpu.dma_semaphore, #tpu.memory_space<semaphore_mem>>)
      %dma_wait3A_417 = arith.constant 0 : i32
      %dma_wait3A_418 = arith.constant 0 : i32
      %dma_wait3A_419 = tpu.memref_slice %arg3[%dma_wait3A_417, %dma_wait3A_418] : memref<100000x128xf32, #tpu.memory_space<hbm>> -> memref<128x128xf32, #tpu.memory_space<hbm>>
      %dma_wait3A_420 = arith.constant 0 : i32
      %dma_wait3A_421 = arith.constant 0 : i32
      %dma_wait3A_422 = tpu.memref_slice %arg3[%dma_wait3A_420, %dma_wait3A_421] : memref<100000x128xf32, #tpu.memory_space<hbm>> -> memref<128x128xf32, #tpu.memory_space<hbm>>
      tpu.wait_dma2 semaphore(%arg15 : memref<!tpu.dma_semaphore, #tpu.memory_space<semaphore_mem>>) src(%dma_wait3A_422 : memref<128x128xf32, #tpu.memory_space<hbm>>) dst(%arg10 : memref<128x128xf32, #tpu.memory_space<vmem>>)
      %get3A_423 = arith.constant 0 : i32
      %get3A_424 = arith.index_cast %get3A_423 : i32 to index
      %get3A_425 = arith.constant 0 : index
      %get3A_426 = tpu.vector_load %arg10[%get3A_424, %get3A_425] {strides = array<i32>} : memref<128x128xf32, #tpu.memory_space<vmem>>, vector<1x16xf32>,
      %get3A_427 = vector.shape_cast %get3A_426 : vector<1x16xf32> to vector<16xf32>
      %add3A_428 = arith.constant 1.000000e+00 : f32
      %add3A_429 = vector.broadcast %add3A_428 : f32 to vector<16xf32>
      %add3A_430 = arith.addf %get3A_427, %add3A_429 : vector<16xf32>
      %swap3A_431 = arith.constant 0 : i32
      %swap3A_432 = arith.index_cast %swap3A_431 : i32 to index
      %swap3A_433 = arith.constant 0 : index
      %swap3A_434 = tpu.vector_load %arg10[%swap3A_432, %swap3A_433] {strides = array<i32>} : memref<128x128xf32, #tpu.memory_space<vmem>>, vector<1x16xf32>,
      %swap3A_435 = vector.shape_cast %swap3A_434 : vector<1x16xf32> to vector<16xf32>
      %swap3A_436 = vector.shape_cast %add3A_430 : vector<16xf32> to vector<1x16xf32>
      tpu.vector_store %arg10[%swap3A_432, %swap3A_433], %swap3A_436 {strides = array<i32>} : memref<128x128xf32, #tpu.memory_space<vmem>>, vector<1x16xf32>,
      %scan3A_437 = arith.constant 0 : i32
      scf.yield %scan3A_437 : i32
    }
    %scan3A_160 = arith.constant 8 : i32
    %dma_start3A_161 = arith.constant 48 : i32
    %dma_start3A_162 = arith.constant 0 : i32
    %dma_start3A_163 = tpu.memref_slice %arg5[%dma_start3A_161, %dma_start3A_162] : memref<50x128xi32, #tpu.memory_space<vmem>> -> memref<1x128xi32, #tpu.memory_space<vmem>>
    %dma_start3A_164 = tpu.memref_squeeze %dma_start3A_163 : memref<1x128xi32, #tpu.memory_space<vmem>> -> memref<128xi32, #tpu.memory_space<vmem>>
    %dma_start3A_165 = arith.constant 0 : i32
    %dma_start3A_166 = arith.constant 0 : i32
    %dma_start3A_167 = tpu.memref_slice %arg3[%dma_start3A_165, %dma_start3A_166] : memref<100000x128xf32, #tpu.memory_space<hbm>> -> memref<100000x128xf32, #tpu.memory_space<hbm>>
    tpu.enqueue_indirect_dma source(%dma_start3A_167 : memref<100000x128xf32, #tpu.memory_space<hbm>>) target(%arg9 : memref<128x128xf32, #tpu.memory_space<vmem>>) offsets(%dma_start3A_164 : memref<128xi32, #tpu.memory_space<vmem>>) semaphore(%arg14 : memref<!tpu.dma_semaphore, #tpu.memory_space<semaphore_mem>>)
    %dma_wait3A_168 = arith.constant 0 : i32
    %dma_wait3A_169 = arith.constant 0 : i32
    %dma_wait3A_170 = tpu.memref_slice %arg3[%dma_wait3A_168, %dma_wait3A_169] : memref<100000x128xf32, #tpu.memory_space<hbm>> -> memref<128x128xf32, #tpu.memory_space<hbm>>
    %dma_wait3A_171 = arith.constant 0 : i32
    %dma_wait3A_172 = arith.constant 0 : i32
    %dma_wait3A_173 = tpu.memref_slice %arg3[%dma_wait3A_171, %dma_wait3A_172] : memref<100000x128xf32, #tpu.memory_space<hbm>> -> memref<128x128xf32, #tpu.memory_space<hbm>>
    tpu.wait_dma2 semaphore(%arg11 : memref<!tpu.dma_semaphore, #tpu.memory_space<semaphore_mem>>) src(%dma_wait3A_173 : memref<128x128xf32, #tpu.memory_space<hbm>>) dst(%arg6 : memref<128x128xf32, #tpu.memory_space<vmem>>)
    %get3A_174 = arith.constant 0 : i32
    %get3A_175 = arith.index_cast %get3A_174 : i32 to index
    %get3A_176 = arith.constant 0 : index
    %get3A_177 = tpu.vector_load %arg6[%get3A_175, %get3A_176] {strides = array<i32>} : memref<128x128xf32, #tpu.memory_space<vmem>>, vector<1x16xf32>,
    %get3A_178 = vector.shape_cast %get3A_177 : vector<1x16xf32> to vector<16xf32>
    %add3A_179 = arith.constant 1.000000e+00 : f32
    %add3A_180 = vector.broadcast %add3A_179 : f32 to vector<16xf32>
    %add3A_181 = arith.addf %get3A_178, %add3A_180 : vector<16xf32>
    %swap3A_182 = arith.constant 0 : i32
    %swap3A_183 = arith.index_cast %swap3A_182 : i32 to index
    %swap3A_184 = arith.constant 0 : index
    %swap3A_185 = tpu.vector_load %arg6[%swap3A_183, %swap3A_184] {strides = array<i32>} : memref<128x128xf32, #tpu.memory_space<vmem>>, vector<1x16xf32>,
    %swap3A_186 = vector.shape_cast %swap3A_185 : vector<1x16xf32> to vector<16xf32>
    %swap3A_187 = vector.shape_cast %add3A_181 : vector<16xf32> to vector<1x16xf32>
    tpu.vector_store %arg6[%swap3A_183, %swap3A_184], %swap3A_187 {strides = array<i32>} : memref<128x128xf32, #tpu.memory_space<vmem>>, vector<1x16xf32>,
    %dma_start3A_188 = arith.constant 49 : i32
    %dma_start3A_189 = arith.constant 0 : i32
    %dma_start3A_190 = tpu.memref_slice %arg5[%dma_start3A_188, %dma_start3A_189] : memref<50x128xi32, #tpu.memory_space<vmem>> -> memref<1x128xi32, #tpu.memory_space<vmem>>
    %dma_start3A_191 = tpu.memref_squeeze %dma_start3A_190 : memref<1x128xi32, #tpu.memory_space<vmem>> -> memref<128xi32, #tpu.memory_space<vmem>>
    %dma_start3A_192 = arith.constant 0 : i32
    %dma_start3A_193 = arith.constant 0 : i32
    %dma_start3A_194 = tpu.memref_slice %arg3[%dma_start3A_192, %dma_start3A_193] : memref<100000x128xf32, #tpu.memory_space<hbm>> -> memref<100000x128xf32, #tpu.memory_space<hbm>>
    tpu.enqueue_indirect_dma source(%dma_start3A_194 : memref<100000x128xf32, #tpu.memory_space<hbm>>) target(%arg10 : memref<128x128xf32, #tpu.memory_space<vmem>>) offsets(%dma_start3A_191 : memref<128xi32, #tpu.memory_space<vmem>>) semaphore(%arg15 : memref<!tpu.dma_semaphore, #tpu.memory_space<semaphore_mem>>)
    %dma_wait3A_195 = arith.constant 0 : i32
    %dma_wait3A_196 = arith.constant 0 : i32
    %dma_wait3A_197 = tpu.memref_slice %arg3[%dma_wait3A_195, %dma_wait3A_196] : memref<100000x128xf32, #tpu.memory_space<hbm>> -> memref<128x128xf32, #tpu.memory_space<hbm>>
    %dma_wait3A_198 = arith.constant 0 : i32
    %dma_wait3A_199 = arith.constant 0 : i32
    %dma_wait3A_200 = tpu.memref_slice %arg3[%dma_wait3A_198, %dma_wait3A_199] : memref<100000x128xf32, #tpu.memory_space<hbm>> -> memref<128x128xf32, #tpu.memory_space<hbm>>
    tpu.wait_dma2 semaphore(%arg12 : memref<!tpu.dma_semaphore, #tpu.memory_space<semaphore_mem>>) src(%dma_wait3A_200 : memref<128x128xf32, #tpu.memory_space<hbm>>) dst(%arg7 : memref<128x128xf32, #tpu.memory_space<vmem>>)
    %get3A_201 = arith.constant 0 : i32
    %get3A_202 = arith.index_cast %get3A_201 : i32 to index
    %get3A_203 = arith.constant 0 : index
    %get3A_204 = tpu.vector_load %arg7[%get3A_202, %get3A_203] {strides = array<i32>} : memref<128x128xf32, #tpu.memory_space<vmem>>, vector<1x16xf32>,
    %get3A_205 = vector.shape_cast %get3A_204 : vector<1x16xf32> to vector<16xf32>
    %add3A_206 = arith.constant 1.000000e+00 : f32
    %add3A_207 = vector.broadcast %add3A_206 : f32 to vector<16xf32>
    %add3A_208 = arith.addf %get3A_205, %add3A_207 : vector<16xf32>
    %swap3A_209 = arith.constant 0 : i32
    %swap3A_210 = arith.index_cast %swap3A_209 : i32 to index
    %swap3A_211 = arith.constant 0 : index
    %swap3A_212 = tpu.vector_load %arg7[%swap3A_210, %swap3A_211] {strides = array<i32>} : memref<128x128xf32, #tpu.memory_space<vmem>>, vector<1x16xf32>,
    %swap3A_213 = vector.shape_cast %swap3A_212 : vector<1x16xf32> to vector<16xf32>
    %swap3A_214 = vector.shape_cast %add3A_208 : vector<16xf32> to vector<1x16xf32>
    tpu.vector_store %arg7[%swap3A_210, %swap3A_211], %swap3A_214 {strides = array<i32>} : memref<128x128xf32, #tpu.memory_space<vmem>>, vector<1x16xf32>,
    %dma_wait3A_215 = arith.constant 0 : i32
    %dma_wait3A_216 = arith.constant 0 : i32
    %dma_wait3A_217 = tpu.memref_slice %arg3[%dma_wait3A_215, %dma_wait3A_216] : memref<100000x128xf32, #tpu.memory_space<hbm>> -> memref<128x128xf32, #tpu.memory_space<hbm>>
    %dma_wait3A_218 = arith.constant 0 : i32
    %dma_wait3A_219 = arith.constant 0 : i32
    %dma_wait3A_220 = tpu.memref_slice %arg3[%dma_wait3A_218, %dma_wait3A_219] : memref<100000x128xf32, #tpu.memory_space<hbm>> -> memref<128x128xf32, #tpu.memory_space<hbm>>
    tpu.wait_dma2 semaphore(%arg13 : memref<!tpu.dma_semaphore, #tpu.memory_space<semaphore_mem>>) src(%dma_wait3A_220 : memref<128x128xf32, #tpu.memory_space<hbm>>) dst(%arg8 : memref<128x128xf32, #tpu.memory_space<vmem>>)
    %get3A_221 = arith.constant 0 : i32
    %get3A_222 = arith.index_cast %get3A_221 : i32 to index
    %get3A_223 = arith.constant 0 : index
    %get3A_224 = tpu.vector_load %arg8[%get3A_222, %get3A_223] {strides = array<i32>} : memref<128x128xf32, #tpu.memory_space<vmem>>, vector<1x16xf32>,
    %get3A_225 = vector.shape_cast %get3A_224 : vector<1x16xf32> to vector<16xf32>
    %add3A_226 = arith.constant 1.000000e+00 : f32
    %add3A_227 = vector.broadcast %add3A_226 : f32 to vector<16xf32>
    %add3A_228 = arith.addf %get3A_225, %add3A_227 : vector<16xf32>
    %swap3A_229 = arith.constant 0 : i32
    %swap3A_230 = arith.index_cast %swap3A_229 : i32 to index
    %swap3A_231 = arith.constant 0 : index
    %swap3A_232 = tpu.vector_load %arg8[%swap3A_230, %swap3A_231] {strides = array<i32>} : memref<128x128xf32, #tpu.memory_space<vmem>>, vector<1x16xf32>,
    %swap3A_233 = vector.shape_cast %swap3A_232 : vector<1x16xf32> to vector<16xf32>
    %swap3A_234 = vector.shape_cast %add3A_228 : vector<16xf32> to vector<1x16xf32>
    tpu.vector_store %arg8[%swap3A_230, %swap3A_231], %swap3A_234 {strides = array<i32>} : memref<128x128xf32, #tpu.memory_space<vmem>>, vector<1x16xf32>,
    %dma_wait3A_235 = arith.constant 0 : i32
    %dma_wait3A_236 = arith.constant 0 : i32
    %dma_wait3A_237 = tpu.memref_slice %arg3[%dma_wait3A_235, %dma_wait3A_236] : memref<100000x128xf32, #tpu.memory_space<hbm>> -> memref<128x128xf32, #tpu.memory_space<hbm>>
    %dma_wait3A_238 = arith.constant 0 : i32
    %dma_wait3A_239 = arith.constant 0 : i32
    %dma_wait3A_240 = tpu.memref_slice %arg3[%dma_wait3A_238, %dma_wait3A_239] : memref<100000x128xf32, #tpu.memory_space<hbm>> -> memref<128x128xf32, #tpu.memory_space<hbm>>
    tpu.wait_dma2 semaphore(%arg14 : memref<!tpu.dma_semaphore, #tpu.memory_space<semaphore_mem>>) src(%dma_wait3A_240 : memref<128x128xf32, #tpu.memory_space<hbm>>) dst(%arg9 : memref<128x128xf32, #tpu.memory_space<vmem>>)
    %get3A_241 = arith.constant 0 : i32
    %get3A_242 = arith.index_cast %get3A_241 : i32 to index
    %get3A_243 = arith.constant 0 : index
    %get3A_244 = tpu.vector_load %arg9[%get3A_242, %get3A_243] {strides = array<i32>} : memref<128x128xf32, #tpu.memory_space<vmem>>, vector<1x16xf32>,
    %get3A_245 = vector.shape_cast %get3A_244 : vector<1x16xf32> to vector<16xf32>
    %add3A_246 = arith.constant 1.000000e+00 : f32
    %add3A_247 = vector.broadcast %add3A_246 : f32 to vector<16xf32>
    %add3A_248 = arith.addf %get3A_245, %add3A_247 : vector<16xf32>
    %swap3A_249 = arith.constant 0 : i32
    %swap3A_250 = arith.index_cast %swap3A_249 : i32 to index
    %swap3A_251 = arith.constant 0 : index
    %swap3A_252 = tpu.vector_load %arg9[%swap3A_250, %swap3A_251] {strides = array<i32>} : memref<128x128xf32, #tpu.memory_space<vmem>>, vector<1x16xf32>,
    %swap3A_253 = vector.shape_cast %swap3A_252 : vector<1x16xf32> to vector<16xf32>
    %swap3A_254 = vector.shape_cast %add3A_248 : vector<16xf32> to vector<1x16xf32>
    tpu.vector_store %arg9[%swap3A_250, %swap3A_251], %swap3A_254 {strides = array<i32>} : memref<128x128xf32, #tpu.memory_space<vmem>>, vector<1x16xf32>,
    %dma_wait3A_255 = arith.constant 0 : i32
    %dma_wait3A_256 = arith.constant 0 : i32
    %dma_wait3A_257 = tpu.memref_slice %arg3[%dma_wait3A_255, %dma_wait3A_256] : memref<100000x128xf32, #tpu.memory_space<hbm>> -> memref<128x128xf32, #tpu.memory_space<hbm>>
    %dma_wait3A_258 = arith.constant 0 : i32
    %dma_wait3A_259 = arith.constant 0 : i32
    %dma_wait3A_260 = tpu.memref_slice %arg3[%dma_wait3A_258, %dma_wait3A_259] : memref<100000x128xf32, #tpu.memory_space<hbm>> -> memref<128x128xf32, #tpu.memory_space<hbm>>
    tpu.wait_dma2 semaphore(%arg15 : memref<!tpu.dma_semaphore, #tpu.memory_space<semaphore_mem>>) src(%dma_wait3A_260 : memref<128x128xf32, #tpu.memory_space<hbm>>) dst(%arg10 : memref<128x128xf32, #tpu.memory_space<vmem>>)
    %get3A_261 = arith.constant 0 : i32
    %get3A_262 = arith.index_cast %get3A_261 : i32 to index
    %get3A_263 = arith.constant 0 : index
    %get3A_264 = tpu.vector_load %arg10[%get3A_262, %get3A_263] {strides = array<i32>} : memref<128x128xf32, #tpu.memory_space<vmem>>, vector<1x16xf32>,
    %get3A_265 = vector.shape_cast %get3A_264 : vector<1x16xf32> to vector<16xf32>
    %add3A_266 = arith.constant 1.000000e+00 : f32
    %add3A_267 = vector.broadcast %add3A_266 : f32 to vector<16xf32>
    %add3A_268 = arith.addf %get3A_265, %add3A_267 : vector<16xf32>
    %swap3A_269 = arith.constant 0 : i32
    %swap3A_270 = arith.index_cast %swap3A_269 : i32 to index
    %swap3A_271 = arith.constant 0 : index
    %swap3A_272 = tpu.vector_load %arg10[%swap3A_270, %swap3A_271] {strides = array<i32>} : memref<128x128xf32, #tpu.memory_space<vmem>>, vector<1x16xf32>,
    %swap3A_273 = vector.shape_cast %swap3A_272 : vector<1x16xf32> to vector<16xf32>
    %swap3A_274 = vector.shape_cast %add3A_268 : vector<16xf32> to vector<1x16xf32>
    tpu.vector_store %arg10[%swap3A_270, %swap3A_271], %swap3A_274 {strides = array<i32>} : memref<128x128xf32, #tpu.memory_space<vmem>>, vector<1x16xf32>,
    "tpu.region"() ({
      %run_scoped3A = tpu.sem_alloc : memref<!tpu.dma_semaphore, #tpu.memory_space<semaphore_mem>>
      %dma_start3A_275 = arith.constant 0 : i32
      %dma_start3A_276 = tpu.memref_slice %arg4[%mul3A_2, %dma_start3A_275] : memref<204800x128xf32, #tpu.memory_space<hbm>> -> memref<128x128xf32, #tpu.memory_space<hbm>>
      %dma_start3A_277 = arith.constant 0 : i32
      %dma_start3A_278 = tpu.memref_slice %arg4[%mul3A_2, %dma_start3A_277] : memref<204800x128xf32, #tpu.memory_space<hbm>> -> memref<128x128xf32, #tpu.memory_space<hbm>>
      tpu.enqueue_dma source(%arg6 : memref<128x128xf32, #tpu.memory_space<vmem>>) target(%dma_start3A_278 : memref<128x128xf32, #tpu.memory_space<hbm>>) target_semaphore(%run_scoped3A : memref<!tpu.dma_semaphore, #tpu.memory_space<semaphore_mem>>)
      %dma_wait3A_279 = arith.constant 0 : i32
      %dma_wait3A_280 = tpu.memref_slice %arg4[%mul3A_2, %dma_wait3A_279] : memref<204800x128xf32, #tpu.memory_space<hbm>> -> memref<128x128xf32, #tpu.memory_space<hbm>>
      %dma_wait3A_281 = arith.constant 0 : i32
      %dma_wait3A_282 = tpu.memref_slice %arg4[%mul3A_2, %dma_wait3A_281] : memref<204800x128xf32, #tpu.memory_space<hbm>> -> memref<128x128xf32, #tpu.memory_space<hbm>>
      tpu.wait_dma2 semaphore(%run_scoped3A : memref<!tpu.dma_semaphore, #tpu.memory_space<semaphore_mem>>) src(%arg6 : memref<128x128xf32, #tpu.memory_space<vmem>>) dst(%dma_wait3A_282 : memref<128x128xf32, #tpu.memory_space<hbm>>)
      tpu.yield
    }) : () -> ()
    return
  }
}

</mosaic_0001>

<sc_bundles>
// kernel: kernel.3.cloned.1.call-start
scs
__scs_entry_jumppad:
0x0: {  	(pc) =	sbr.rel $0x88, $3  }
0x1: {  	(tag) =	ssettag $0x0;
	lr =	simm.s32 $0x1  }
0x2: {  	[smem:$0x3F9F] =	sst lr;
	_ =	strace $0xD0000000  }
0x3: {  	_ = 	snop  }
0x4: {  	_ = 	snop  }
0x5: {  	_ = 	snop  }
0x6: {  	_ = 	snop  }
0x7: {  	_ = 	snop  }
__scs_overlays_trampoline_lowered:
0x8: {  	[smem:$0x3FAE] =	sst s0  }
0x9: {  	[smem:$0x3FAF] =	sst s1  }
0xa: {  	[smem:$0x3FB0] =	sst s2  }
0xb: {  	[smem:$0x3FB1] =	sst s3  }
0xc: {  	[smem:$0x3FB2] =	sst s4  }
0xd: {  	[smem:$0x3FB3] =	sst s5  }
0xe: {  	[smem:$0x3FB4] =	sst s6  }
0xf: {  	[smem:$0x3FB5] =	sst s7  }
0x10: {  	[smem:$0x3FB6] =	sst s8  }
0x11: {  	[smem:$0x3FB7] =	sst s9;
	s0 =	simm.s32 @!p0 $0x0  }
0x12: {  	s1 =	sld [smem:$0x3F9D];
	s0 =	simm.s32 @p0 $0x1  }
0x13: {  	[smem:$0x3FB8] =	sst s0;
	s0 =	simm.s32 @!p1 $0x0  }
0x14: {  	s2 =	sld [smem:$0x3F9C];
	s0 =	simm.s32 @p1 $0x1  }
0x15: {  	[smem:$0x3FB9] =	sst s0;
	s0 =	simm.s32 @!p2 $0x0  }
0x16: {  	s3 =	sld [smem:$0x3FDB];
	s0 =	simm.s32 @p2 $0x1  }
0x17: {  	s4 =	simm.s32 $0x1BF5;
	[smem:$0x3FBB] =	sst s0  }
0x18: {  	s0 =	sld [smem:$0x3F9E];
	_ =	swait.ge [sflag:s4], $0x0  }
0x19: {  	s7 =	sld [smem:$0x3F9F]  }
0x1a: {  	s8 =	sadd.s32 $0xFFFFE003, lr  }
0x1b: {  	s9 =	sadd.s32 $0xFFFFFEF7, lr;
	s5 =	simm.s32 $0xFFFFFFFF;
	p2 =	slt.u32 s8, $0xFFFFF086  }
0x1c: {  	p1 =	slt.u32 s9, $0xF7A;
	s5 =	simm.s32 @!p2 $0x0  }
0x1d: {  	s5 =	simm.s32 @p1 $0x1;
	p0 =	seq.s32 s7, s2  }
0x1e: {  	s7 =	smul.u32 @!p0 $0xF7A, s2;
	p2 =	seq.s32 @!p0 s5, $0x0  }
0x1f: {  	s9 =	smul.u32 $0xF7A, s1;
	s8 =	simm.s32 @!p0 $0x1BF5;
	p2 =	por !p2, p0  }
0x20: {  	[sflag:s8] =	ssyncset.s32 @!p0 $0xFFFFF086;
	s6 =	sadd.s32 @!p0 s3, s7;
	s7 =	simm.s32 @!p0 $0x108  }
0x21: {  	s3 =	sadd.s32 s3, s9;
	s6 =	sadd.s32 @!p0 $0x88, s6;
	s7 =	simm.s32 @p2 $0x1082  }
0x22: {  	[simem:s7], [sflag:s8] =	dma.local @!p0 [hbm:s6], $0xF7A  }
0x23: {  	s9 =	sor.u32 $0xD0000000, s2;
	s6 =	simm.s32 $0x108;
	_ =	swait.ge @!p0 [sflag:s8], $0x0  }
0x24: {  	s3 =	sadd.s32 $0x88, s3;
	s6 =	simm.s32 @!p1 $0x1082;
	[sflag:s4] =	ssyncset.s32 $0xFFFFF086  }
0x25: {  	[simem:s6], [sflag:s4] =	dma.local [hbm:s3], $0xF7A  }
0x26: {  	[smem:$0x3F9F] =	sst s1;
	(tag) =	ssettag s2;
	_ =	strace s9  }
0x27: {  	s1 =	sld [smem:$0x3FAF]  }
0x28: {  	s2 =	sld [smem:$0x3FB0]  }
0x29: {  	s4 =	sld [smem:$0x3FB2]  }
0x2a: {  	p0 =	seq.s32 s5, $0x0;
	s5 =	sld [smem:$0x3FB3]  }
0x2b: {  	s6 =	sld [smem:$0x3FB4]  }
0x2c: {  	s7 =	sld [smem:$0x3FB5]  }
0x2d: {  	s3 =	simm.s32 $0x108;
	s8 =	sld [smem:$0x3FB6]  }
0x2e: {  	s3 =	simm.s32 @!p0 $0x1082;
	s9 =	sld [smem:$0x3FB7]  }
0x2f: {  	lr =	sadd.s32 s0, s3;
	s0 =	sld [smem:$0x3FAE]  }
0x30: {  	s3 =	sld [smem:$0x3FB1]  }
0x31: {  	[smem:$0x3FBA] =	sst s10  }
0x32: {  	s10 =	sld [smem:$0x3FB8];
	_ =	sdelay $0x3  }
0x33: {  	p0 =	seq.s32 s10, $0x1;
	s10 =	sld [smem:$0x3FBA];
	_ =	sdelay $0x3  }
0x34: {  	[smem:$0x3FBA] =	sst s10  }
0x35: {  	s10 =	sld [smem:$0x3FB9];
	_ =	sdelay $0x3  }
0x36: {  	p1 =	seq.s32 s10, $0x1;
	s10 =	sld [smem:$0x3FBA];
	_ =	sdelay $0x3  }
0x37: {  	[smem:$0x3FBA] =	sst s10  }
0x38: {  	s10 =	sld [smem:$0x3FBB]  }
0x39: {  	_ = 	snop;
	(pc) =	sbr.ind lr, $3  }
0x3a: {  	_ = 	snop  }
0x3b: {  	_ = 	snop  }
0x3c: {  	p2 =	seq.s32 s10, $0x1;
	s10 =	sld [smem:$0x3FBA]  }
0x3d: {  	_ =	shalt  }
0x3e: {  	_ =	shalt  }
0x3f: {  	_ =	shalt  }
0x40: {  	_ =	shalt  }
0x41: {  	_ =	shalt  }
0x42: {  	_ =	shalt  }
0x43: {  	_ =	shalt  }
0x44: {  	_ =	shalt  }
0x45: {  	_ =	shalt  }
0x46: {  	_ =	shalt  }
0x47: {  	_ =	shalt  }
0x48: {  	_ =	shalt  }
0x49: {  	_ =	shalt  }
0x4a: {  	_ =	shalt  }
0x4b: {  	_ =	shalt  }
0x4c: {  	_ =	shalt  }
0x4d: {  	_ =	shalt  }
0x4e: {  	_ =	shalt  }
0x4f: {  	_ =	shalt  }
0x50: {  	_ =	shalt  }
0x51: {  	_ =	shalt  }
0x52: {  	_ =	shalt  }
0x53: {  	_ =	shalt  }
0x54: {  	_ =	shalt  }
0x55: {  	_ =	shalt  }
0x56: {  	_ =	shalt  }
0x57: {  	_ =	shalt  }
0x58: {  	_ =	shalt  }
0x59: {  	_ =	shalt  }
0x5a: {  	_ =	shalt  }
0x5b: {  	_ =	shalt  }
0x5c: {  	_ =	shalt  }
0x5d: {  	_ =	shalt  }
0x5e: {  	_ =	shalt  }
0x5f: {  	_ =	shalt  }
0x60: {  	_ =	shalt  }
0x61: {  	_ =	shalt  }
0x62: {  	_ =	shalt  }
0x63: {  	_ =	shalt  }
0x64: {  	_ =	shalt  }
0x65: {  	_ =	shalt  }
0x66: {  	_ =	shalt  }
0x67: {  	_ =	shalt  }
0x68: {  	_ =	shalt  }
0x69: {  	_ =	shalt  }
0x6a: {  	_ =	shalt  }
0x6b: {  	_ =	shalt  }
0x6c: {  	_ =	shalt  }
0x6d: {  	_ =	shalt  }
0x6e: {  	_ =	shalt  }
0x6f: {  	_ =	shalt  }
0x70: {  	_ =	shalt  }
0x71: {  	_ =	shalt  }
0x72: {  	_ =	shalt  }
0x73: {  	_ =	shalt  }
0x74: {  	_ =	shalt  }
0x75: {  	_ =	shalt  }
0x76: {  	_ =	shalt  }
0x77: {  	_ =	shalt  }
0x78: {  	_ =	shalt  }
0x79: {  	_ =	shalt  }
0x7a: {  	_ =	shalt  }
0x7b: {  	_ =	shalt  }
0x7c: {  	_ =	shalt  }
0x7d: {  	_ =	shalt  }
0x7e: {  	_ =	shalt  }
0x7f: {  	_ =	shalt  }
0x80: {  	_ =	shalt  }
0x81: {  	_ =	shalt  }
0x82: {  	_ =	shalt  }
0x83: {  	_ =	shalt  }
0x84: {  	_ =	shalt  }
0x85: {  	_ =	shalt  }
0x86: {  	_ =	shalt  }
0x87: {  	_ =	shalt  }
.Lfunc_end0:
.L_simem_size_0:
called_computation_lowered:
.L_overlay_start_0:
0x88: {  	s2 =	sld [smem:$0x3FD9]  }
0x89: {  	s3 =	sld [smem:$0x3FFE];
	_ =	sdelay $0x1  }
0x8a: {  	s1 =	srdreg.scid  }
0x8b: {  	s0 =	sand.u32 $0x1, s1  }
0x8c: {  	s17 =	sshll.u32 s0, $0xA;
	s2 =	sadd.s32 s3, s2  }
0x8d: {  	s2 =	sadd.s32 s2, s17  }
0x8e: {  	[smem:$0x3FC6] =	sst s2  }
0x8f: {  	_ = 	snop  }
0x90: {  	s2 =	sld [smem:$0x3FC8]  }
0x91: {  	s18 =	sld [smem:$0x3FD0];
	(tm) =	ssettm $0x1  }
0x92: {  	s4 =	sld [smem:$0x3FFB];
	_ =	sdelay $0x3  }
0x93: {  	_ =	strace s4  }
0x94: {  	s4 =	sld [smem:$0x3FFC];
	_ =	sdelay $0x3  }
0x95: {  	_ =	strace s4  }
0x96: {  	s4 =	sld [smem:$0x3FFD];
	_ =	sdelay $0x3  }
0x97: {  	_ =	strace s4  }
0x98: {  	_ =	strace $0x8FFFFFFF  }
0x99: {  	s19 =	sld [smem:$0x3FDB];
	_ =	sdelay $0x1  }
0x9a: {  	s5 =	simm.s32 $_scs_section_size  }
0x9b: {  	s6 =	simm.s32 $_size__tile_overlayer_lowered;
	s7 =	simm.s32 $_tile_overlayer_lowered  }
0x9c: {  	s22 =	simm.s32 $0x1BFF;
	s21 =	sshll.u32 s7, $0x1;
	s4 =	sadd.s32 s5, s19  }
0x9d: {  	s8 =	simm.s32 $0x0;
	s20 =	sshll.u32 s6, $0x1;
	s6 =	sadd.s32 s21, s4  }
0x9e: {  	[timem:s8], [sflag:s22] =	dma.local [hbm:s6], s20  }
0x9f: {  	_ =	swait.ge [sflag:s22], s20  }
0xa0: {  	s5 =	ssub.s32 $0x0, s20;
	[sflag:s22] =	ssyncset.done $0x0  }
0xa1: {  	[sflag:s22] =	ssyncadd.s32 s5;
	_ =	sdelay $0x1  }
0xa2: {  	s23 =	simm.s32 $0x1B8B  }
0xa3: {  	_ =	swait.ge [sflag:s23], $0x1  }
0xa4: {  	[sflag:s23] =	ssyncset.done $0x0  }
0xa5: {  	s25 =	simm.s32 $0x1B8E;
	s24 =	sld [smem:$0x3FFE];
	[sflag:s23] =	ssyncadd.s32 $0xFFFFFFFF  }
0xa6: {  	s26 =	simm.s32 $execute0_lowered;
	[smem:$0x3FD2] =	sst s25  }
0xa7: {  	s6 =	sshll.u32 s26, $0x1;
	_ =	strace $0x80000046;
	[dreg:$0x1] =	wrdreg $0xFFFFFFFF  }
0xa8: {  	s28 =	simm.s32 $_size_execute0_lowered;
	s4 =	sadd.s32 s4, s6;
	[dreg:$0x0] =	wrdreg $0x0  }
0xa9: {  	s6 =	sshll.u32 s28, $0x1;
	[dreg:$0x2] =	wrdreg s4  }
0xaa: {  	[dreg:$0x3] =	wrdreg s6  }
0xab: {  	[dreg:$0x4] =	wrdreg $0xC0  }
0xac: {  	_ =	task [dreg:s8], $0x5FFFF  }
0xad: {  	[dreg:$0x1] =	wrdreg $0xFFFFFFFF  }
0xae: {  	[dreg:$0x0] =	wrdreg $0x60  }
0xaf: {  	[dreg:$0x2] =	wrdreg s24  }
0xb0: {  	[dreg:$0x3] =	wrdreg s2  }
0xb1: {  	[dreg:$0x4] =	wrdreg s18  }
0xb2: {  	[dreg:$0x5] =	wrdreg $0x9  }
0xb3: {  	_ =	task.clear_ibuf [dreg:s8], $0x6FFFF;
	_ =	strace $0x90000046  }
0xb4: {  	s29 =	simm.s32 $0x9;
	_ =	strace $0x80000048  }
0xb5: {  	_ =	swait.ge [sflag:s29], $0x1  }
0xb6: {  	[sflag:s29] =	ssyncadd.s32 $0xFFFFFFFF  }
0xb7: {  	_ =	strace $0x90000048  }
0xb8: {  	_ =	sfence  }
0xb9: {  	s30 =	sld [smem:$0x0];
	_ =	sdelay $0x2  }
0xba: {  	s31 =	sshll.u32 s1, $0xD;
	s1 =	sshrl.u32 s1, $0x2  }
0xbb: {  	s3 =	sand.u32 $0x4000, s31;
	s1 =	sadd.s32 s1, s30  }
0xbc: {  	s0 =	sor.u32 s3, s0;
	s1 =	sshll.u32 s1, $0x11  }
0xbd: {  	s0 =	sor.u32 s1, s0  }
0xbe: {  	s0 =	sadd.s32 $0x8F2B, s0  }
0xbf: {  	[sflag:s0] =	ssyncadd.remote.s32 $0x1  }
0xc0: {  	_ =	sfence.sel $0xFFFF  }
0xc1: {  	[dreg:$0x0] =	wrdreg $0xFFFFFFFF;
	(pc) =	sbr.abs _section_cstart, $3  }
0xc2: {  	[dreg:$0x1] =	wrdreg $0xFFFFFFFF  }
0xc3: {  	_ =	task.clear_ibuf [dreg:s8], $0x2FFFF;
	_ =	strace $0x9FFFFFFF  }
0xc4: {  	(tm) =	ssettm $0x7FFFFFFF  }
0xc5: {  	_ =	shalt  }
tec
execute0_lowered:
.L_overlay_start_1:
0x0: {  	(tag) =	ssettag $0x1  }
0x1: {  	s4 =	rddreg [dreg:$0x0]  }
0x2: {  	s2 =	rddreg [dreg:$0x1];
	s1 =	srdreg.scid  }
0x3: {  	s0 =	stileid.u32;
	s5 =	rddreg [dreg:$0x2]  }
0x4: {  	s10 =	simm.s32 $0x5C00;
	s11 =	simm.s32 $0x100;
	s12 =	simm.s32 $0x9C00  }
0x5: {  	s13 =	simm.s32 $0x180;
	s14 =	simm.s32 $0xDC00;
	s15 =	simm.s32 $0x1  }
0x6: {  	s16 =	simm.s32 $0x200;
	s17 =	simm.s32 $0x11C00;
	s18 =	simm.s32 $0x2  }
0x7: {  	s19 =	simm.s32 $0x280;
	s20 =	simm.s32 $0x3;
	s21 =	simm.s32 $0x300  }
0x8: {  	s22 =	simm.s32 $0x4;
	s23 =	simm.s32 $0x380;
	s24 =	simm.s32 $0x5  }
0x9: {  	s25 =	simm.s32 $0x1800;
	s6 =	sand.u32 $0x1, s1;
	s3 =	sshll.u32 s0, $0x1  }
0xa: {  	s26 =	simm.s32 $0x1880;
	s28 =	simm.s32 $0x0;
	s7 =	sor.u32 s6, s3  }
0xb: {  	s3 =	simm.s32 $0x0;
	s6 =	ssub.s32 $0x2, s6;
	s8 =	smul.u32 $0x380, s7  }
0xc: {  	[smem:$0x7FF] =	sst s3;
	s9 =	sshrl.u32 s6, $0x1;
	s7 =	smul.u32 $0x19000, s7  }
0xd: {  	_ =	strace $0x80000047;
	s6 =	ssub.s32 s6, s9;
	s9 =	simm.s32 $0x1C00  }
0xe: {  	s4 =	sadd.s32 s8, s4;
	s5 =	sadd.s32 s5, s7;
	s6 =	smax.u32 s6, $0x1  }
0xf: {  	s7 =	simm.s32 $0x6;
	s8 =	simm.s32 $0x80;
	s4 =	sadd.s32 $0x400, s4  }
.LBB2_1:
0x10: {  	[tilespmem:s3], [sflag:$0x6] =	stream.linear.gather [hbm4b:s4+s3], $0x1900, $0x38;
	[tilespmem:$0x15C00] =	vst v63  }
0x11: {  	_ =	swait.ge [sflag:s7], $0x1900  }
0x12: {  	[sflag:s7] =	ssyncset.done $0x0  }
0x13: {  	[sflag:s7] =	ssyncadd.s32 $0xFFFFE700  }
0x14: {  	[tilespmem:s9], [sflag:$0x1] =	stream.indirect.gather [hbm4b:s2+s8], $0x80, s3, s8, $0xb8;
	[tilespmem:$0x15C00] =	vst v63  }
0x15: {  	_ = 	snop  }
0x16: {  	[tilespmem:s10], [sflag:$0x2] =	stream.indirect.gather [hbm4b:s2+s8], $0x80, s8, s8, $0xb8;
	[tilespmem:$0x15C00] =	vst v63  }
0x17: {  	_ = 	snop  }
0x18: {  	[tilespmem:s12], [sflag:$0x3] =	stream.indirect.gather [hbm4b:s2+s8], $0x80, s11, s8, $0xb8;
	[tilespmem:$0x15C00] =	vst v63  }
0x19: {  	_ = 	snop  }
0x1a: {  	[tilespmem:s14], [sflag:$0x4] =	stream.indirect.gather [hbm4b:s2+s8], $0x80, s13, s8, $0xb8;
	[tilespmem:$0x15C00] =	vst v63  }
0x1b: {  	_ =	swait.ge [sflag:s15], $0x4000  }
0x1c: {  	[sflag:s15] =	ssyncset.done $0x0  }
0x1d: {  	[sflag:s15] =	ssyncadd.s32 $0xFFFFC000  }
0x1e: {  	v0 =	vld [tilespmem:$0x1C00];
	_ =	sdelay $0x4  }
0x1f: {  	v0 =	vadd.f32 $1.000000000e+00, v0;
	_ =	sdelay $0x1  }
0x20: {  	[tilespmem:$0x1C00] =	vst v0  }
0x21: {  	[tilespmem:s17], [sflag:$0x5] =	stream.indirect.gather [hbm4b:s2+s8], $0x80, s16, s8, $0xb8;
	[tilespmem:$0x15C00] =	vst v63  }
0x22: {  	_ =	swait.ge [sflag:s18], $0x4000  }
0x23: {  	[sflag:s18] =	ssyncset.done $0x0  }
0x24: {  	[sflag:s18] =	ssyncadd.s32 $0xFFFFC000  }
0x25: {  	v0 =	vld [tilespmem:$0x5C00];
	_ =	sdelay $0x4  }
0x26: {  	v0 =	vadd.f32 $1.000000000e+00, v0;
	_ =	sdelay $0x1  }
0x27: {  	[tilespmem:$0x5C00] =	vst v0  }
0x28: {  	[tilespmem:s9], [sflag:$0x1] =	stream.indirect.gather [hbm4b:s2+s8], $0x80, s19, s8, $0xb8;
	[tilespmem:$0x15C00] =	vst v63  }
0x29: {  	_ =	swait.ge [sflag:s20], $0x4000  }
0x2a: {  	[sflag:s20] =	ssyncset.done $0x0  }
0x2b: {  	[sflag:s20] =	ssyncadd.s32 $0xFFFFC000  }
0x2c: {  	v0 =	vld [tilespmem:$0x9C00];
	_ =	sdelay $0x4  }
0x2d: {  	v0 =	vadd.f32 $1.000000000e+00, v0;
	_ =	sdelay $0x1  }
0x2e: {  	[tilespmem:$0x9C00] =	vst v0  }
0x2f: {  	[tilespmem:s10], [sflag:$0x2] =	stream.indirect.gather [hbm4b:s2+s8], $0x80, s21, s8, $0xb8;
	[tilespmem:$0x15C00] =	vst v63  }
0x30: {  	_ =	swait.ge [sflag:s22], $0x4000  }
0x31: {  	[sflag:s22] =	ssyncset.done $0x0  }
0x32: {  	[sflag:s22] =	ssyncadd.s32 $0xFFFFC000  }
0x33: {  	v0 =	vld [tilespmem:$0xDC00];
	_ =	sdelay $0x4  }
0x34: {  	v0 =	vadd.f32 $1.000000000e+00, v0;
	_ =	sdelay $0x1  }
0x35: {  	[tilespmem:$0xDC00] =	vst v0  }
0x36: {  	[tilespmem:s12], [sflag:$0x3] =	stream.indirect.gather [hbm4b:s2+s8], $0x80, s23, s8, $0xb8;
	[tilespmem:$0x15C00] =	vst v63  }
0x37: {  	_ =	swait.ge [sflag:s24], $0x4000  }
0x38: {  	[sflag:s24] =	ssyncset.done $0x0  }
0x39: {  	[sflag:s24] =	ssyncadd.s32 $0xFFFFC000  }
0x3a: {  	v0 =	vld [tilespmem:$0x11C00];
	_ =	sdelay $0x4  }
0x3b: {  	v0 =	vadd.f32 $1.000000000e+00, v0;
	_ =	sdelay $0x1  }
0x3c: {  	s29 =	simm.s32 $0x400;
	[tilespmem:$0x11C00] =	vst v0  }
0x3d: {  	[tilespmem:s14], [sflag:$0x4] =	stream.indirect.gather [hbm4b:s2+s8], $0x80, s29, s8, $0xb8;
	[tilespmem:$0x15C00] =	vst v63  }
0x3e: {  	_ =	swait.ge [sflag:s15], $0x4000  }
0x3f: {  	[sflag:s15] =	ssyncset.done $0x0  }
0x40: {  	[sflag:s15] =	ssyncadd.s32 $0xFFFFC000  }
0x41: {  	v0 =	vld [tilespmem:$0x1C00];
	_ =	sdelay $0x4  }
0x42: {  	v0 =	vadd.f32 $1.000000000e+00, v0;
	_ =	sdelay $0x1  }
0x43: {  	s29 =	simm.s32 $0x480;
	[tilespmem:$0x1C00] =	vst v0  }
0x44: {  	[tilespmem:s17], [sflag:$0x5] =	stream.indirect.gather [hbm4b:s2+s8], $0x80, s29, s8, $0xb8;
	[tilespmem:$0x15C00] =	vst v63  }
0x45: {  	_ =	swait.ge [sflag:s18], $0x4000  }
0x46: {  	[sflag:s18] =	ssyncset.done $0x0  }
0x47: {  	[sflag:s18] =	ssyncadd.s32 $0xFFFFC000  }
0x48: {  	v0 =	vld [tilespmem:$0x5C00];
	_ =	sdelay $0x4  }
0x49: {  	v0 =	vadd.f32 $1.000000000e+00, v0;
	_ =	sdelay $0x1  }
0x4a: {  	s29 =	simm.s32 $0x500;
	[tilespmem:$0x5C00] =	vst v0  }
0x4b: {  	[tilespmem:s9], [sflag:$0x1] =	stream.indirect.gather [hbm4b:s2+s8], $0x80, s29, s8, $0xb8;
	[tilespmem:$0x15C00] =	vst v63  }
0x4c: {  	_ =	swait.ge [sflag:s20], $0x4000  }
0x4d: {  	[sflag:s20] =	ssyncset.done $0x0  }
0x4e: {  	[sflag:s20] =	ssyncadd.s32 $0xFFFFC000  }
0x4f: {  	v0 =	vld [tilespmem:$0x9C00];
	_ =	sdelay $0x4  }
0x50: {  	v0 =	vadd.f32 $1.000000000e+00, v0;
	_ =	sdelay $0x1  }
0x51: {  	s29 =	simm.s32 $0x580;
	[tilespmem:$0x9C00] =	vst v0  }
0x52: {  	[tilespmem:s10], [sflag:$0x2] =	stream.indirect.gather [hbm4b:s2+s8], $0x80, s29, s8, $0xb8;
	[tilespmem:$0x15C00] =	vst v63  }
0x53: {  	_ =	swait.ge [sflag:s22], $0x4000  }
0x54: {  	[sflag:s22] =	ssyncset.done $0x0  }
0x55: {  	[sflag:s22] =	ssyncadd.s32 $0xFFFFC000  }
0x56: {  	v0 =	vld [tilespmem:$0xDC00];
	_ =	sdelay $0x4  }
0x57: {  	v0 =	vadd.f32 $1.000000000e+00, v0;
	_ =	sdelay $0x1  }
0x58: {  	s29 =	simm.s32 $0x600;
	[tilespmem:$0xDC00] =	vst v0  }
0x59: {  	[tilespmem:s12], [sflag:$0x3] =	stream.indirect.gather [hbm4b:s2+s8], $0x80, s29, s8, $0xb8;
	[tilespmem:$0x15C00] =	vst v63  }
0x5a: {  	_ =	swait.ge [sflag:s24], $0x4000  }
0x5b: {  	[sflag:s24] =	ssyncset.done $0x0  }
0x5c: {  	[sflag:s24] =	ssyncadd.s32 $0xFFFFC000  }
0x5d: {  	v0 =	vld [tilespmem:$0x11C00];
	_ =	sdelay $0x4  }
0x5e: {  	s30 =	simm.s32 $0xFFFFC400;
	s29 =	simm.s32 $0xFFFFEE80;
	v0 =	vadd.f32 $1.000000000e+00, v0  }
.LBB2_2:
0x5f: {  	p0 =	sne.s32 s30, $0xFFFFF600  }
0x60: {  	s1 =	sadd.s32 $0x1800, s29;
	[tilespmem:$0x11C00] =	vst v0;
	s31 =	smov.u32 s30;
	s30 =	sadd.s32 $0xA00, s30  }
0x61: {  	[tilespmem:s14], [sflag:$0x4] =	stream.indirect.gather [hbm4b:s2+s8], $0x80, s1, s8, $0xb8;
	[tilespmem:$0x15C00] =	vst v63  }
0x62: {  	_ =	swait.ge [sflag:s15], $0x4000  }
0x63: {  	[sflag:s15] =	ssyncset.done $0x0  }
0x64: {  	[sflag:s15] =	ssyncadd.s32 $0xFFFFC000  }
0x65: {  	v0 =	vld [tilespmem:$0x1C00];
	_ =	sdelay $0x4  }
0x66: {  	v0 =	vadd.f32 $1.000000000e+00, v0;
	_ =	sdelay $0x1  }
0x67: {  	s1 =	sadd.s32 $0x1880, s29;
	[tilespmem:$0x1C00] =	vst v0  }
0x68: {  	[tilespmem:s17], [sflag:$0x5] =	stream.indirect.gather [hbm4b:s2+s8], $0x80, s1, s8, $0xb8;
	[tilespmem:$0x15C00] =	vst v63  }
0x69: {  	_ =	swait.ge [sflag:s18], $0x4000  }
0x6a: {  	[sflag:s18] =	ssyncset.done $0x0  }
0x6b: {  	[sflag:s18] =	ssyncadd.s32 $0xFFFFC000  }
0x6c: {  	v0 =	vld [tilespmem:$0x5C00];
	_ =	sdelay $0x4  }
0x6d: {  	v0 =	vadd.f32 $1.000000000e+00, v0;
	_ =	sdelay $0x1  }
0x6e: {  	s1 =	sadd.s32 $0x1900, s29;
	[tilespmem:$0x5C00] =	vst v0  }
0x6f: {  	[tilespmem:s9], [sflag:$0x1] =	stream.indirect.gather [hbm4b:s2+s8], $0x80, s1, s8, $0xb8;
	[tilespmem:$0x15C00] =	vst v63  }
0x70: {  	_ =	swait.ge [sflag:s20], $0x4000  }
0x71: {  	[sflag:s20] =	ssyncset.done $0x0  }
0x72: {  	[sflag:s20] =	ssyncadd.s32 $0xFFFFC000  }
0x73: {  	v0 =	vld [tilespmem:$0x9C00];
	_ =	sdelay $0x4  }
0x74: {  	v0 =	vadd.f32 $1.000000000e+00, v0;
	_ =	sdelay $0x1  }
0x75: {  	s1 =	sadd.s32 $0x1980, s29;
	[tilespmem:$0x9C00] =	vst v0  }
0x76: {  	[tilespmem:s10], [sflag:$0x2] =	stream.indirect.gather [hbm4b:s2+s8], $0x80, s1, s8, $0xb8;
	[tilespmem:$0x15C00] =	vst v63  }
0x77: {  	_ =	swait.ge [sflag:s22], $0x4000  }
0x78: {  	[sflag:s22] =	ssyncset.done $0x0  }
0x79: {  	[sflag:s22] =	ssyncadd.s32 $0xFFFFC000  }
0x7a: {  	v0 =	vld [tilespmem:$0xDC00];
	_ =	sdelay $0x4  }
0x7b: {  	v0 =	vadd.f32 $1.000000000e+00, v0;
	_ =	sdelay $0x1  }
0x7c: {  	s1 =	sadd.s32 $0x1A00, s29;
	[tilespmem:$0xDC00] =	vst v0  }
0x7d: {  	[tilespmem:s12], [sflag:$0x3] =	stream.indirect.gather [hbm4b:s2+s8], $0x80, s1, s8, $0xb8;
	[tilespmem:$0x15C00] =	vst v63  }
0x7e: {  	_ =	swait.ge [sflag:s24], $0x4000  }
0x7f: {  	[sflag:s24] =	ssyncset.done $0x0  }
0x80: {  	[sflag:s24] =	ssyncadd.s32 $0xFFFFC000  }
0x81: {  	v0 =	vld [tilespmem:$0x11C00];
	_ =	sdelay $0x1  }
.Ltmp0:
0x82: {  	(pc) =	sbr.rel @p0 .LBB2_2-.Ltmp0, $3  }
0x83: {  	_ =	sdelay $0x1  }
0x84: {  	v0 =	vadd.f32 $1.000000000e+00, v0  }
0x85: {  	s29 =	sshra.s32 s31, $0x2  }
0x86: {  	s1 =	sadd.s32 $0x1800, s29;
	[tilespmem:$0x11C00] =	vst v0  }
0x87: {  	[tilespmem:s14], [sflag:$0x4] =	stream.indirect.gather [hbm4b:s2+s8], $0x80, s1, s8, $0xb8;
	[tilespmem:$0x15C00] =	vst v63  }
0x88: {  	_ =	swait.ge [sflag:s15], $0x4000  }
0x89: {  	[sflag:s15] =	ssyncset.done $0x0  }
0x8a: {  	[sflag:s15] =	ssyncadd.s32 $0xFFFFC000  }
0x8b: {  	v54 =	vld [tilespmem:$0x1C00];
	_ =	sdelay $0x4  }
0x8c: {  	v0 =	vadd.f32 $1.000000000e+00, v54;
	_ =	sdelay $0x1  }
0x8d: {  	s30 =	sadd.s32 $0x1880, s29;
	[tilespmem:$0x1C00] =	vst v0  }
0x8e: {  	[tilespmem:s17], [sflag:$0x5] =	stream.indirect.gather [hbm4b:s2+s8], $0x80, s30, s8, $0xb8;
	[tilespmem:$0x15C00] =	vst v63  }
0x8f: {  	_ =	swait.ge [sflag:s18], $0x4000  }
0x90: {  	[sflag:s18] =	ssyncset.done $0x0  }
0x91: {  	[sflag:s18] =	ssyncadd.s32 $0xFFFFC000  }
0x92: {  	v55 =	vld [tilespmem:$0x5C00];
	_ =	sdelay $0x4  }
0x93: {  	v0 =	vadd.f32 $1.000000000e+00, v55;
	_ =	sdelay $0x1  }
0x94: {  	s31 =	sadd.s32 $0x1900, s29;
	[tilespmem:$0x5C00] =	vst v0  }
0x95: {  	[tilespmem:s9], [sflag:$0x1] =	stream.indirect.gather [hbm4b:s2+s8], $0x80, s31, s8, $0xb8;
	[tilespmem:$0x15C00] =	vst v63  }
0x96: {  	_ =	swait.ge [sflag:s20], $0x4000  }
0x97: {  	[sflag:s20] =	ssyncset.done $0x0  }
0x98: {  	[sflag:s20] =	ssyncadd.s32 $0xFFFFC000  }
0x99: {  	v56 =	vld [tilespmem:$0x9C00];
	_ =	sdelay $0x4  }
0x9a: {  	v0 =	vadd.f32 $1.000000000e+00, v56;
	_ =	sdelay $0x1  }
0x9b: {  	s30 =	sadd.s32 $0x1980, s29;
	[tilespmem:$0x9C00] =	vst v0  }
0x9c: {  	[tilespmem:s10], [sflag:$0x2] =	stream.indirect.gather [hbm4b:s2+s8], $0x80, s30, s8, $0xb8;
	[tilespmem:$0x15C00] =	vst v63  }
0x9d: {  	_ =	swait.ge [sflag:s22], $0x4000  }
0x9e: {  	[sflag:s22] =	ssyncset.done $0x0  }
0x9f: {  	[sflag:s22] =	ssyncadd.s32 $0xFFFFC000  }
0xa0: {  	v57 =	vld [tilespmem:$0xDC00];
	_ =	sdelay $0x4  }
0xa1: {  	v0 =	vadd.f32 $1.000000000e+00, v57;
	_ =	sdelay $0x1  }
0xa2: {  	s31 =	sadd.s32 $0x1A00, s29;
	[tilespmem:$0xDC00] =	vst v0  }
0xa3: {  	[tilespmem:s12], [sflag:$0x3] =	stream.indirect.gather [hbm4b:s2+s8], $0x80, s31, s8, $0xb8;
	[tilespmem:$0x15C00] =	vst v63  }
0xa4: {  	_ =	swait.ge [sflag:s24], $0x4000  }
0xa5: {  	[sflag:s24] =	ssyncset.done $0x0  }
0xa6: {  	[sflag:s24] =	ssyncadd.s32 $0xFFFFC000  }
0xa7: {  	v58 =	vld [tilespmem:$0x11C00];
	_ =	sdelay $0x4  }
0xa8: {  	v0 =	vadd.f32 $1.000000000e+00, v58;
	_ =	sdelay $0x1  }
0xa9: {  	[tilespmem:$0x11C00] =	vst v0  }
0xaa: {  	[tilespmem:s14], [sflag:$0x4] =	stream.indirect.gather [hbm4b:s2+s8], $0x80, s25, s8, $0xb8;
	[tilespmem:$0x15C00] =	vst v63  }
0xab: {  	_ =	swait.ge [sflag:s15], $0x4000  }
0xac: {  	[sflag:s15] =	ssyncset.done $0x0  }
0xad: {  	[sflag:s15] =	ssyncadd.s32 $0xFFFFC000  }
0xae: {  	v59 =	vld [tilespmem:$0x1C00];
	_ =	sdelay $0x4  }
0xaf: {  	v0 =	vadd.f32 $1.000000000e+00, v59;
	_ =	sdelay $0x1  }
0xb0: {  	[tilespmem:$0x1C00] =	vst v0  }
0xb1: {  	[tilespmem:s17], [sflag:$0x5] =	stream.indirect.gather [hbm4b:s2+s8], $0x80, s26, s8, $0xb8;
	[tilespmem:$0x15C00] =	vst v63  }
0xb2: {  	_ =	swait.ge [sflag:s18], $0x4000  }
0xb3: {  	[sflag:s18] =	ssyncset.done $0x0  }
0xb4: {  	[sflag:s18] =	ssyncadd.s32 $0xFFFFC000  }
0xb5: {  	v60 =	vld [tilespmem:$0x5C00];
	_ =	sdelay $0x4  }
0xb6: {  	v0 =	vadd.f32 $1.000000000e+00, v60;
	_ =	sdelay $0x1  }
0xb7: {  	[tilespmem:$0x5C00] =	vst v0  }
0xb8: {  	_ =	swait.ge [sflag:s20], $0x4000  }
0xb9: {  	[sflag:s20] =	ssyncset.done $0x0  }
0xba: {  	[sflag:s20] =	ssyncadd.s32 $0xFFFFC000  }
0xbb: {  	v61 =	vld [tilespmem:$0x9C00];
	_ =	sdelay $0x4  }
0xbc: {  	v0 =	vadd.f32 $1.000000000e+00, v61;
	_ =	sdelay $0x1  }
0xbd: {  	[tilespmem:$0x9C00] =	vst v0  }
0xbe: {  	_ =	swait.ge [sflag:s22], $0x4000  }
0xbf: {  	[sflag:s22] =	ssyncset.done $0x0  }
0xc0: {  	[sflag:s22] =	ssyncadd.s32 $0xFFFFC000  }
0xc1: {  	v62 =	vld [tilespmem:$0xDC00];
	_ =	sdelay $0x4  }
0xc2: {  	v0 =	vadd.f32 $1.000000000e+00, v62;
	_ =	sdelay $0x1  }
0xc3: {  	[tilespmem:$0xDC00] =	vst v0  }
0xc4: {  	_ =	swait.ge [sflag:s24], $0x4000  }
0xc5: {  	[sflag:s24] =	ssyncset.done $0x0  }
0xc6: {  	[sflag:s24] =	ssyncadd.s32 $0xFFFFC000  }
0xc7: {  	v63 =	vld [tilespmem:$0x11C00];
	_ =	sdelay $0x4  }
0xc8: {  	s28 =	sadd.s32 $0x1, s28;
	v0 =	vadd.f32 $1.000000000e+00, v63  }
0xc9: {  	p0 =	sne.s32 s28, s6  }
.Ltmp1:
0xca: {  	[tilespmem:$0x11C00] =	vst v0;
	(pc) =	sbr.rel @p0 .LBB2_1-.Ltmp1, $4  }
0xcb: {  	[hbm4b:s5+s3] =	stream.linear.scatter [tilespmem:s9], [sflag:$0x6], $0x4000, $0x38;
	[tilespmem:$0x15C00] =	vst v63  }
0xcc: {  	_ =	swait.ge [sflag:s7], $0x4000  }
0xcd: {  	[sflag:s7] =	ssyncset.done $0x0  }
0xce: {  	[sflag:s7] =	ssyncadd.s32 $0xFFFFC000  }
0xcf: {  	_ =	sfence.sel $0x180000  }
0xd0: {  	[bflag:$0x0] =	sbarrier.arrive $0xFFFF  }
0xd1: {  	_ =	strace $0x90000047  }
0xd2: {  	[bflag:$0x2] =	sbarrier.arrive $0xFFFF  }
0xd3: {  	p0 =	sne.s32 s0, $0x0;
	s0 =	rddreg [dreg:$0x3]  }
0xd4: {  	s0 =	sadd.s32 @!p0 $0x100000, s0  }
0xd5: {  	[sflag:s0] =	ssyncadd.tile.s32 @!p0 $0x1;
	_ =	shalt  }
.Lfunc_end2:
_tile_overlayer_lowered:
.L_overlay_start_2:
0xd6: {  	(tag) =	ssettag $0x2  }
0xd7: {  	s0 =	rddreg [dreg:$0x0];
	s2 =	stileid.u32  }
0xd8: {  	s1 =	rddreg [dreg:$0x1];
	p0 =	sne.s32 s2, $0x0  }
0xd9: {  	s3 =	rddreg [dreg:$0x2];
	[bflag:$0x3] =	sbarrier.arrive $0xFFFF;
	s2 =	simm.s32 @!p0 $0x1C06  }
0xda: {  	[timem:s3], [sflag:s2] =	dma.local @!p0 [hbm:s0], s1  }
0xdb: {  	s0 =	simm.s32 @!p0 $0x6  }
0xdc: {  	_ =	swait.ge @!p0 [sflag:s0], s1  }
0xdd: {  	s1 =	ssub.s32 @!p0 $0x0, s1;
	[sflag:s0] =	ssyncset.done @!p0 $0x0  }
0xde: {  	[sflag:s0] =	ssyncadd.s32 @!p0 s1  }
0xdf: {  	[bflag:$0x3] =	sbarrier.arrive $0xFFFF  }
0xe0: {  	_ =	shalt  }

</sc_bundles>
